<compile_context>
chip_gen: v7x
topology: tpu7x:2x2x1
jax: 0.10.2.dev20260603
libtpu: 0.0.44.dev20260713+nightly
codegen_flags: <defaults>
</compile_context>

<pallas_src>
import functools

import jax
import jax.numpy as jnp
import numpy as np
from jax import lax
from jax.experimental import pallas as pl
from jax.experimental.pallas import tpu as pltpu
from jax.experimental.pallas import tpu_sc as plsc

_NC_TABLE = 100000
_G = 3
_SP = 0.2
_SN = 0.8

_U32 = np.uint32


def _tf_rounds(x0, x1, ks0, ks1, ks2):
    rot = ((13, 15, 26, 6), (17, 29, 16, 24))
    adds = ((ks1, ks2), (ks2, ks0), (ks0, ks1), (ks1, ks2), (ks2, ks0))
    x0 = (x0 + ks0).astype(_U32)
    x1 = (x1 + ks1).astype(_U32)
    for i in range(5):
        for r in rot[i % 2]:
            x0 = (x0 + x1).astype(_U32)
            x1 = ((x1 << _U32(r)) | (x1 >> _U32(32 - r))).astype(_U32)
            x1 = x0 ^ x1
        a, b = adds[i]
        x0 = (x0 + a).astype(_U32)
        x1 = (x1 + b + _U32(i + 1)).astype(_U32)
    return x0, x1


def _tf_hash(key, x0, x1):
    k0, k1 = _U32(key[0]), _U32(key[1])
    k2 = k0 ^ k1 ^ _U32(0x1BD11BDA)
    return _tf_rounds(x0.astype(_U32), x1.astype(_U32), k0, k1, k2)


def _tf_fold_in(key, data):
    o0, o1 = _tf_hash(key, np.array([data >> 32], np.uint64).astype(_U32),
                      np.array([data & 0xFFFFFFFF], np.uint64).astype(_U32))
    return (o0[0], o1[0])


def _tf_split(key, n):
    o0, o1 = _tf_hash(key, np.zeros(n, _U32), np.arange(n, dtype=_U32))
    return [(o0[i], o1[i]) for i in range(n)]


def _tf_bits32(key, size):
    i64 = np.arange(size, dtype=np.uint64)
    b0, b1 = _tf_hash(key, (i64 >> np.uint64(32)).astype(_U32),
                      (i64 & np.uint64(0xFFFFFFFF)).astype(_U32))
    return b0 ^ b1


def _np_uniform(key, size, lo, hi):
    bits = _tf_bits32(key, size)
    fb = (bits >> _U32(9)) | _U32(0x3F800000)
    f = fb.view(np.float32) - np.float32(1.0)
    lo32, hi32 = np.float32(lo), np.float32(hi)
    return np.maximum(lo32, f * (hi32 - lo32) + lo32)


def _np_normal(key, size):
    from scipy.special import erfinv
    lo = np.nextafter(np.float32(-1.0), np.float32(0.0), dtype=np.float32)
    u = _np_uniform(key, size, lo, np.float32(1.0))
    return (np.float32(np.sqrt(2)) * erfinv(u.astype(np.float64))).astype(np.float32)


_CONST_CACHE = {}


def _denoise_consts(BT, S):
    ck = (BT, S)
    if ck in _CONST_CACHE:
        return _CONST_CACHE[ck]
    N = BT * S
    base = (_U32(0), _U32(42))
    noise6 = np.zeros((2 * _G, 8, N), np.float32)
    fp = np.empty((1 + _G, BT, S), np.int32)
    fp[0] = np.arange(N, dtype=np.int32).reshape(BT, S)
    for g in range(_G):
        kg = _tf_fold_in(base, g)
        k1, k2, k3 = _tf_split(kg, 3)
        noise6[2 * g, :3] = _np_normal(k1, N * 3).reshape(N, 3).T
        noise6[2 * g + 1, :3] = _np_normal(k2, N * 3).reshape(N, 3).T
        u = _np_uniform(k3, N, 0.0, 1.0).reshape(BT, S)
        perm = np.argsort(u, axis=-1, kind="stable").astype(np.int32)
        fp[1 + g] = fp[0, :, 0:1] + perm
    _CONST_CACHE[ck] = (noise6, fp.reshape(-1))
    return _CONST_CACHE[ck]


_CHUNK = 128


def _sc_gather(table, cls_flat, fp_flat, n_rows, d):
    info = plsc.get_sparse_core_info()
    nw = info.num_cores * info.num_subcores
    rows_w = n_rows // nw
    chunks_w = rows_w // _CHUNK
    assert n_rows % (nw * _CHUNK) == 0

    nbuf = 4

    @functools.partial(
        pl.kernel,
        mesh=plsc.VectorSubcoreMesh(core_axis_name="c", subcore_axis_name="s"),
        compiler_params=pltpu.CompilerParams(needs_layout_passes=False),
        out_type=(jax.ShapeDtypeStruct((n_rows, d), jnp.float32),
                  jax.ShapeDtypeStruct((n_rows,), jnp.int32)),
        scratch_types=(
            [pltpu.VMEM((rows_w,), jnp.int32),
             pltpu.VMEM((rows_w,), jnp.int32)]
            + [pltpu.VMEM((_CHUNK, d), jnp.float32) for _ in range(nbuf)]
            + [pltpu.SemaphoreType.DMA for _ in range(chunks_w)]
            + [pltpu.SemaphoreType.DMA]
            + [pltpu.SemaphoreType.DMA for _ in range(2 * nbuf)]
        ),
    )
    def gather_kernel(table_hbm, cls_hbm, fp_hbm, out_hbm, idxout_hbm,
                      fp_v, idx_v, *bufs_sems):
        rbufs = bufs_sems[:nbuf]
        isems = bufs_sems[nbuf:nbuf + chunks_w]
        xsem = bufs_sems[nbuf + chunks_w]
        gsems = bufs_sems[nbuf + chunks_w + 1:nbuf + chunks_w + 1 + nbuf]
        osems = bufs_sems[nbuf + chunks_w + 1 + nbuf:]
        wid = lax.axis_index("s") * info.num_cores + lax.axis_index("c")
        rbase = wid * rows_w
        pltpu.sync_copy(fp_hbm.at[pl.ds(rbase, rows_w)], fp_v)

        hi = [pltpu.async_copy(
            cls_hbm.at[fp_v.at[pl.ds(j * _CHUNK, _CHUNK)]],
            idx_v.at[pl.ds(j * _CHUNK, _CHUNK)], isems[j])
            for j in range(chunks_w)]

        def start_g(j):
            hi[j].wait()
            return pltpu.async_copy(
                table_hbm.at[idx_v.at[pl.ds(j * _CHUNK, _CHUNK)]],
                rbufs[j % nbuf], gsems[j % nbuf])

        hg = [None] * chunks_w
        ho = [None] * chunks_w
        for j in range(min(nbuf - 1, chunks_w)):
            hg[j] = start_g(j)
        for j in range(chunks_w):
            nxt = j + nbuf - 1
            if nxt < chunks_w:
                if nxt >= nbuf:
                    ho[nxt - nbuf].wait()
                hg[nxt] = start_g(nxt)
            hg[j].wait()
            ho[j] = pltpu.async_copy(
                rbufs[j % nbuf],
                out_hbm.at[pl.ds(rbase + j * _CHUNK, _CHUNK)],
                osems[j % nbuf])
        hx = pltpu.async_copy(
            idx_v, idxout_hbm.at[pl.ds(rbase, rows_w)], xsem)
        for j in range(max(0, chunks_w - nbuf), chunks_w):
            ho[j].wait()
        hx.wait()

    return gather_kernel(table, cls_flat, fp_flat)


def _tc_units(doa_t, noise6, unit_ref):
    d_ = doa_t[...]
    for j in range(2 * _G):
        sig = _SP if j % 2 == 0 else _SN
        x = d_ + sig * noise6[j]
        n2 = jnp.sum(x * x, axis=0, keepdims=True)
        inv = 1.0 / jnp.maximum(jnp.sqrt(n2), 1e-12)
        unit_ref[j] = x * inv


def _tc_main(e4, unit6, mask_t, pw, dwpad, bias, dn_ref):
    f32 = jnp.float32
    pw_ = pw[...]
    w2 = jnp.dot(pw_, dwpad[...], preferred_element_type=f32)
    bb = bias[...]
    m_col = jnp.transpose(mask_t[0:1, :])
    pw_bf = pw_.astype(jnp.bfloat16)
    projs = []
    for k in range(4):
        projs.append(lax.dot_general(
            e4[k].astype(jnp.bfloat16), pw_bf, (((1,), (1,)), ((), ())),
            preferred_element_type=f32))
    rb = dn_ref.shape[0]
    s = dn_ref.shape[1] // (2 * _G)
    dcap = dn_ref.shape[2]
    for g in range(_G):
        for sgn in range(2):
            j = 2 * g + sgn
            contrib = lax.dot_general(
                unit6[j], w2, (((0,), (1,)), ((), ())),
                preferred_element_type=f32)
            src = 0 if sgn == 0 else g + 1
            q = (projs[src] + contrib + bb) * m_col
            dn_ref[:, j * s:(j + 1) * s, :] = q.reshape(rb, s, dcap)


def kernel(gt_cls, gt_doa, gt_loud, gt_mask, class_embed, doa_w, proj_w, proj_b):
    B, T, S = gt_cls.shape
    BT = B * T
    N = BT * S
    D = class_embed.shape[1]

    noise6_np, fp_np = _denoise_consts(BT, S)
    noise6 = jnp.asarray(noise6_np)
    fp_flat = jnp.asarray(fp_np)

    cls_flat = gt_cls.reshape(N).astype(jnp.int32)
    cls_safe = jnp.where(cls_flat < 0, _NC_TABLE, cls_flat)

    gathered, idx_out = _sc_gather(class_embed, cls_safe, fp_flat, 4 * N, D)
    g4 = gathered.reshape(4, N, D)

    doa_t = jnp.pad(jnp.transpose(gt_doa.reshape(N, 3)), ((0, 5), (0, 0)))
    mask_t = jnp.broadcast_to(
        gt_mask.reshape(N).astype(jnp.float32)[None, :], (8, N))
    dw_pad = jnp.pad(doa_w, ((0, 0), (0, 5)))
    bias2 = proj_b.reshape(1, D)

    RU = 4096
    unit6 = pl.pallas_call(
        _tc_units,
        grid=(N // RU,),
        in_specs=[
            pl.BlockSpec((8, RU), lambda i: (0, i)),
            pl.BlockSpec((2 * _G, 8, RU), lambda i: (0, 0, i)),
        ],
        out_specs=pl.BlockSpec((2 * _G, 8, RU), lambda i: (0, 0, i)),
        out_shape=jax.ShapeDtypeStruct((2 * _G, 8, N), jnp.float32),
    )(doa_t, noise6)

    RB = 128
    nblk = BT // RB
    R = RB * S

    dn = pl.pallas_call(
        _tc_main,
        grid=(nblk,),
        in_specs=[
            pl.BlockSpec((4, R, D), lambda i: (0, i, 0)),
            pl.BlockSpec((2 * _G, 8, R), lambda i: (0, 0, i)),
            pl.BlockSpec((8, R), lambda i: (0, i)),
            pl.BlockSpec((D, D), lambda i: (0, 0)),
            pl.BlockSpec((D, 8), lambda i: (0, 0)),
            pl.BlockSpec((1, D), lambda i: (0, 0)),
        ],
        out_specs=pl.BlockSpec((RB, 2 * _G * S, D), lambda i: (i, 0, 0)),
        out_shape=jax.ShapeDtypeStruct((BT, 2 * _G * S, D), jnp.float32),
    )(g4, unit6, mask_t, proj_w, dw_pad, bias2)

    u3 = unit6[:, :3, :].reshape(2 * _G, 3, BT, S)
    pos_doa = u3[0::2].transpose(2, 0, 3, 1)
    neg_doa = u3[1::2].transpose(2, 0, 3, 1)
    pos_cls = jnp.broadcast_to(
        cls_safe.reshape(BT, S)[:, None, :], (BT, _G, S))
    neg_cls = idx_out[N:].reshape(_G, BT, S).transpose(1, 0, 2)
    return (dn, pos_cls, pos_doa, neg_cls, neg_doa)

# --- scband reference (transcript-rebuilt; emitter-appended) ---
"""Pipeline reference for scband-contrastive-de-noising-8529805049931 (READ-ONLY COPY).

The authoritative reference and input builder live on the scoring server;
editing this copy changes nothing except your own understanding.
"""

import jax, jax.numpy as jnp
import numpy as np

D = 128
NC = 100000
G = 3
SP = 0.2
SN = 0.8

def _norm(x):
    return x / jnp.maximum(jnp.linalg.norm(x, axis=-1, keepdims=True), 1e-12)

def setup_inputs(seed: int = 0):
    key = jax.random.key(seed)
    ks = jax.random.split(key, 8)
    B, T, S = 16, 64, 16
    gt_cls = jax.random.randint(ks[0], (B, T, S), 0, NC)
    gt_doa = jax.random.normal(ks[1], (B, T, S, 3), dtype=jnp.float32)
    gt_loud = jax.random.normal(ks[2], (B, T, S), dtype=jnp.float32)
    gt_mask = jax.random.randint(ks[3], (B, T, S), 0, 2).astype(bool)
    class_embed = jax.random.normal(ks[4], (NC + 1, D), dtype=jnp.float32) * 0.02
    class_embed = class_embed.at[NC].set(0.0)  # padding_idx row
    doa_w = jax.random.normal(ks[5], (D, 3), dtype=jnp.float32) * (1.0 / np.sqrt(3.0))
    proj_w = jax.random.normal(ks[6], (D, D), dtype=jnp.float32) * (1.0 / np.sqrt(D))
    proj_b = jnp.zeros((D,), dtype=jnp.float32)
    return {"gt_cls": gt_cls, "gt_doa": gt_doa, "gt_loud": gt_loud, "gt_mask": gt_mask,
            "class_embed": class_embed, "doa_w": doa_w, "proj_w": proj_w, "proj_b": proj_b}

def reference(gt_cls, gt_doa, gt_loud, gt_mask, class_embed, doa_w, proj_w, proj_b):
    B, T, S = gt_cls.shape
    BT = B * T
    cls_flat = gt_cls.reshape(BT, S)
    cls_safe = jnp.where(cls_flat < 0, NC, cls_flat)
    doa_flat = gt_doa.reshape(BT, S, 3)
    mask = gt_mask.reshape(BT, S).astype(jnp.float32)[..., None]
    base = jax.random.key(42)
    dn, pc, pd, ncl, nd = [], [], [], [], []
    for g in range(G):
        kg = jax.random.fold_in(base, g)
        k1, k2, k3 = jax.random.split(kg, 3)
        # positive queries
        doa_pos = _norm(doa_flat + SP * jax.random.normal(k1, doa_flat.shape, dtype=jnp.float32))
        cls_emb = jnp.take(class_embed, cls_safe, axis=0)
        doa_emb = doa_pos @ doa_w.T
        q_pos = ((cls_emb + doa_emb) @ proj_w.T + proj_b) * mask
        dn.append(q_pos); pc.append(cls_safe); pd.append(doa_pos)
        # negative queries: per-frame random class permutation
        doa_neg = _norm(doa_flat + SN * jax.random.normal(k2, doa_flat.shape, dtype=jnp.float32))
        perm = jnp.argsort(jax.random.uniform(k3, (BT, S)), axis=-1)
        cls_neg = jnp.take_along_axis(cls_safe, perm, axis=1)
        cls_emb_n = jnp.take(class_embed, cls_neg, axis=0)
        doa_emb_n = doa_neg @ doa_w.T
        q_neg = ((cls_emb_n + doa_emb_n) @ proj_w.T + proj_b) * mask
        dn.append(q_neg); ncl.append(cls_neg); nd.append(doa_neg)
    dn_queries = jnp.concatenate(dn, axis=1)
    pos_cls = jnp.stack(pc, axis=1)
    pos_doa = jnp.stack(pd, axis=1)
    neg_cls = jnp.stack(ncl, axis=1)
    neg_doa = jnp.stack(nd, axis=1)
    return (dn_queries, pos_cls, pos_doa, neg_cls, neg_doa)

if __name__ == "__main__":
    import jax
    _d = setup_inputs()
    print(jax.jit(kernel)(*tuple(_d.values())))

</pallas_src>

<mosaic_0001>
#map = affine_map<(d0, d1) -> (0, 0)>
#map1 = affine_map<(d0, d1) -> (0)>
module attributes {stable_mosaic.version = 14 : i64} {
  func.func @gather_kernel(%arg0: i32, %arg1: i32, %arg2: memref<100001x128xf32, #tpu.memory_space<hbm>>, %arg3: memref<16384xi32, #tpu.memory_space<hbm>>, %arg4: memref<65536xi32, #tpu.memory_space<hbm>>, %arg5: memref<65536x128xf32, #tpu.memory_space<hbm>>, %arg6: memref<65536xi32, #tpu.memory_space<hbm>>, %arg7: memref<2048xi32, #tpu.memory_space<vmem>>, %arg8: memref<2048xi32, #tpu.memory_space<vmem>>, %arg9: memref<128x128xf32, #tpu.memory_space<vmem>>, %arg10: memref<128x128xf32, #tpu.memory_space<vmem>>, %arg11: memref<128x128xf32, #tpu.memory_space<vmem>>, %arg12: memref<128x128xf32, #tpu.memory_space<vmem>>, %arg13: memref<!tpu.dma_semaphore, #tpu.memory_space<semaphore_mem>>, %arg14: memref<!tpu.dma_semaphore, #tpu.memory_space<semaphore_mem>>, %arg15: memref<!tpu.dma_semaphore, #tpu.memory_space<semaphore_mem>>, %arg16: memref<!tpu.dma_semaphore, #tpu.memory_space<semaphore_mem>>, %arg17: memref<!tpu.dma_semaphore, #tpu.memory_space<semaphore_mem>>, %arg18: memref<!tpu.dma_semaphore, #tpu.memory_space<semaphore_mem>>, %arg19: memref<!tpu.dma_semaphore, #tpu.memory_space<semaphore_mem>>, %arg20: memref<!tpu.dma_semaphore, #tpu.memory_space<semaphore_mem>>, %arg21: memref<!tpu.dma_semaphore, #tpu.memory_space<semaphore_mem>>, %arg22: memref<!tpu.dma_semaphore, #tpu.memory_space<semaphore_mem>>, %arg23: memref<!tpu.dma_semaphore, #tpu.memory_space<semaphore_mem>>, %arg24: memref<!tpu.dma_semaphore, #tpu.memory_space<semaphore_mem>>, %arg25: memref<!tpu.dma_semaphore, #tpu.memory_space<semaphore_mem>>, %arg26: memref<!tpu.dma_semaphore, #tpu.memory_space<semaphore_mem>>, %arg27: memref<!tpu.dma_semaphore, #tpu.memory_space<semaphore_mem>>, %arg28: memref<!tpu.dma_semaphore, #tpu.memory_space<semaphore_mem>>, %arg29: memref<!tpu.dma_semaphore, #tpu.memory_space<semaphore_mem>>, %arg30: memref<!tpu.dma_semaphore, #tpu.memory_space<semaphore_mem>>, %arg31: memref<!tpu.dma_semaphore, #tpu.memory_space<semaphore_mem>>, %arg32: memref<!tpu.dma_semaphore, #tpu.memory_space<semaphore_mem>>, %arg33: memref<!tpu.dma_semaphore, #tpu.memory_space<semaphore_mem>>, %arg34: memref<!tpu.dma_semaphore, #tpu.memory_space<semaphore_mem>>, %arg35: memref<!tpu.dma_semaphore, #tpu.memory_space<semaphore_mem>>, %arg36: memref<!tpu.dma_semaphore, #tpu.memory_space<semaphore_mem>>, %arg37: memref<!tpu.dma_semaphore, #tpu.memory_space<semaphore_mem>>) attributes {dimension_semantics = [#tpu.dimension_semantics<core_parallel>, #tpu.dimension_semantics<subcore_parallel>], iteration_bounds = array<i64: 2, 16>, scalar_prefetch = 0 : i64, scratch_operands = 31 : i64, tpu.core_type = #tpu.core_type<sc_vector_subcore>, window_params = [{transform_indices = #map}, {transform_indices = #map1}, {transform_indices = #map1}, {transform_indices = #map}, {transform_indices = #map1}]} {
    %mul3A = arith.constant 2 : i32
    %mul3A_0 = arith.muli %arg1, %mul3A : i32
    %add3A = arith.addi %mul3A_0, %arg0 : i32
    %mul3A_1 = arith.constant 2048 : i32
    %mul3A_2 = arith.muli %add3A, %mul3A_1 : i32
    "tpu.region"() ({
      %run_scoped3A = tpu.sem_alloc : memref<!tpu.dma_semaphore, #tpu.memory_space<semaphore_mem>>
      %dma_start3A_517 = tpu.memref_slice %arg4[%mul3A_2] : memref<65536xi32, #tpu.memory_space<hbm>> -> memref<2048xi32, #tpu.memory_space<hbm>>
      %dma_start3A_518 = tpu.memref_slice %arg4[%mul3A_2] : memref<65536xi32, #tpu.memory_space<hbm>> -> memref<2048xi32, #tpu.memory_space<hbm>>
      tpu.enqueue_dma source(%dma_start3A_518 : memref<2048xi32, #tpu.memory_space<hbm>>) target(%arg7 : memref<2048xi32, #tpu.memory_space<vmem>>) target_semaphore(%run_scoped3A : memref<!tpu.dma_semaphore, #tpu.memory_space<semaphore_mem>>)
      %dma_wait3A_519 = tpu.memref_slice %arg4[%mul3A_2] : memref<65536xi32, #tpu.memory_space<hbm>> -> memref<2048xi32, #tpu.memory_space<hbm>>
      %dma_wait3A_520 = tpu.memref_slice %arg4[%mul3A_2] : memref<65536xi32, #tpu.memory_space<hbm>> -> memref<2048xi32, #tpu.memory_space<hbm>>
      tpu.wait_dma2 semaphore(%run_scoped3A : memref<!tpu.dma_semaphore, #tpu.memory_space<semaphore_mem>>) src(%dma_wait3A_520 : memref<2048xi32, #tpu.memory_space<hbm>>) dst(%arg7 : memref<2048xi32, #tpu.memory_space<vmem>>)
      tpu.yield
    }) : () -> ()
    %dma_start3A = arith.constant 0 : i32
    %dma_start3A_3 = tpu.memref_slice %arg8[%dma_start3A] : memref<2048xi32, #tpu.memory_space<vmem>> -> memref<128xi32, #tpu.memory_space<vmem>>
    %dma_start3A_4 = arith.constant 0 : i32
    %dma_start3A_5 = tpu.memref_slice %arg7[%dma_start3A_4] : memref<2048xi32, #tpu.memory_space<vmem>> -> memref<128xi32, #tpu.memory_space<vmem>>
    %dma_start3A_6 = arith.constant 0 : i32
    %dma_start3A_7 = tpu.memref_slice %arg3[%dma_start3A_6] : memref<16384xi32, #tpu.memory_space<hbm>> -> memref<16384xi32, #tpu.memory_space<hbm>>
    tpu.enqueue_indirect_dma source(%dma_start3A_7 : memref<16384xi32, #tpu.memory_space<hbm>>) target(%dma_start3A_3 : memref<128xi32, #tpu.memory_space<vmem>>) offsets(%dma_start3A_5 : memref<128xi32, #tpu.memory_space<vmem>>) semaphore(%arg13 : memref<!tpu.dma_semaphore, #tpu.memory_space<semaphore_mem>>)
    %dma_start3A_8 = arith.constant 128 : i32
    %dma_start3A_9 = tpu.memref_slice %arg8[%dma_start3A_8] : memref<2048xi32, #tpu.memory_space<vmem>> -> memref<128xi32, #tpu.memory_space<vmem>>
    %dma_start3A_10 = arith.constant 128 : i32
    %dma_start3A_11 = tpu.memref_slice %arg7[%dma_start3A_10] : memref<2048xi32, #tpu.memory_space<vmem>> -> memref<128xi32, #tpu.memory_space<vmem>>
    %dma_start3A_12 = arith.constant 0 : i32
    %dma_start3A_13 = tpu.memref_slice %arg3[%dma_start3A_12] : memref<16384xi32, #tpu.memory_space<hbm>> -> memref<16384xi32, #tpu.memory_space<hbm>>
    tpu.enqueue_indirect_dma source(%dma_start3A_13 : memref<16384xi32, #tpu.memory_space<hbm>>) target(%dma_start3A_9 : memref<128xi32, #tpu.memory_space<vmem>>) offsets(%dma_start3A_11 : memref<128xi32, #tpu.memory_space<vmem>>) semaphore(%arg14 : memref<!tpu.dma_semaphore, #tpu.memory_space<semaphore_mem>>)
    %dma_start3A_14 = arith.constant 256 : i32
    %dma_start3A_15 = tpu.memref_slice %arg8[%dma_start3A_14] : memref<2048xi32, #tpu.memory_space<vmem>> -> memref<128xi32, #tpu.memory_space<vmem>>
    %dma_start3A_16 = arith.constant 256 : i32
    %dma_start3A_17 = tpu.memref_slice %arg7[%dma_start3A_16] : memref<2048xi32, #tpu.memory_space<vmem>> -> memref<128xi32, #tpu.memory_space<vmem>>
    %dma_start3A_18 = arith.constant 0 : i32
    %dma_start3A_19 = tpu.memref_slice %arg3[%dma_start3A_18] : memref<16384xi32, #tpu.memory_space<hbm>> -> memref<16384xi32, #tpu.memory_space<hbm>>
    tpu.enqueue_indirect_dma source(%dma_start3A_19 : memref<16384xi32, #tpu.memory_space<hbm>>) target(%dma_start3A_15 : memref<128xi32, #tpu.memory_space<vmem>>) offsets(%dma_start3A_17 : memref<128xi32, #tpu.memory_space<vmem>>) semaphore(%arg15 : memref<!tpu.dma_semaphore, #tpu.memory_space<semaphore_mem>>)
    %dma_start3A_20 = arith.constant 384 : i32
    %dma_start3A_21 = tpu.memref_slice %arg8[%dma_start3A_20] : memref<2048xi32, #tpu.memory_space<vmem>> -> memref<128xi32, #tpu.memory_space<vmem>>
    %dma_start3A_22 = arith.constant 384 : i32
    %dma_start3A_23 = tpu.memref_slice %arg7[%dma_start3A_22] : memref<2048xi32, #tpu.memory_space<vmem>> -> memref<128xi32, #tpu.memory_space<vmem>>
    %dma_start3A_24 = arith.constant 0 : i32
    %dma_start3A_25 = tpu.memref_slice %arg3[%dma_start3A_24] : memref<16384xi32, #tpu.memory_space<hbm>> -> memref<16384xi32, #tpu.memory_space<hbm>>
    tpu.enqueue_indirect_dma source(%dma_start3A_25 : memref<16384xi32, #tpu.memory_space<hbm>>) target(%dma_start3A_21 : memref<128xi32, #tpu.memory_space<vmem>>) offsets(%dma_start3A_23 : memref<128xi32, #tpu.memory_space<vmem>>) semaphore(%arg16 : memref<!tpu.dma_semaphore, #tpu.memory_space<semaphore_mem>>)
    %dma_start3A_26 = arith.constant 512 : i32
    %dma_start3A_27 = tpu.memref_slice %arg8[%dma_start3A_26] : memref<2048xi32, #tpu.memory_space<vmem>> -> memref<128xi32, #tpu.memory_space<vmem>>
    %dma_start3A_28 = arith.constant 512 : i32
    %dma_start3A_29 = tpu.memref_slice %arg7[%dma_start3A_28] : memref<2048xi32, #tpu.memory_space<vmem>> -> memref<128xi32, #tpu.memory_space<vmem>>
    %dma_start3A_30 = arith.constant 0 : i32
    %dma_start3A_31 = tpu.memref_slice %arg3[%dma_start3A_30] : memref<16384xi32, #tpu.memory_space<hbm>> -> memref<16384xi32, #tpu.memory_space<hbm>>
    tpu.enqueue_indirect_dma source(%dma_start3A_31 : memref<16384xi32, #tpu.memory_space<hbm>>) target(%dma_start3A_27 : memref<128xi32, #tpu.memory_space<vmem>>) offsets(%dma_start3A_29 : memref<128xi32, #tpu.memory_space<vmem>>) semaphore(%arg17 : memref<!tpu.dma_semaphore, #tpu.memory_space<semaphore_mem>>)
    %dma_start3A_32 = arith.constant 640 : i32
    %dma_start3A_33 = tpu.memref_slice %arg8[%dma_start3A_32] : memref<2048xi32, #tpu.memory_space<vmem>> -> memref<128xi32, #tpu.memory_space<vmem>>
    %dma_start3A_34 = arith.constant 640 : i32
    %dma_start3A_35 = tpu.memref_slice %arg7[%dma_start3A_34] : memref<2048xi32, #tpu.memory_space<vmem>> -> memref<128xi32, #tpu.memory_space<vmem>>
    %dma_start3A_36 = arith.constant 0 : i32
    %dma_start3A_37 = tpu.memref_slice %arg3[%dma_start3A_36] : memref<16384xi32, #tpu.memory_space<hbm>> -> memref<16384xi32, #tpu.memory_space<hbm>>
    tpu.enqueue_indirect_dma source(%dma_start3A_37 : memref<16384xi32, #tpu.memory_space<hbm>>) target(%dma_start3A_33 : memref<128xi32, #tpu.memory_space<vmem>>) offsets(%dma_start3A_35 : memref<128xi32, #tpu.memory_space<vmem>>) semaphore(%arg18 : memref<!tpu.dma_semaphore, #tpu.memory_space<semaphore_mem>>)
    %dma_start3A_38 = arith.constant 768 : i32
    %dma_start3A_39 = tpu.memref_slice %arg8[%dma_start3A_38] : memref<2048xi32, #tpu.memory_space<vmem>> -> memref<128xi32, #tpu.memory_space<vmem>>
    %dma_start3A_40 = arith.constant 768 : i32
    %dma_start3A_41 = tpu.memref_slice %arg7[%dma_start3A_40] : memref<2048xi32, #tpu.memory_space<vmem>> -> memref<128xi32, #tpu.memory_space<vmem>>
    %dma_start3A_42 = arith.constant 0 : i32
    %dma_start3A_43 = tpu.memref_slice %arg3[%dma_start3A_42] : memref<16384xi32, #tpu.memory_space<hbm>> -> memref<16384xi32, #tpu.memory_space<hbm>>
    tpu.enqueue_indirect_dma source(%dma_start3A_43 : memref<16384xi32, #tpu.memory_space<hbm>>) target(%dma_start3A_39 : memref<128xi32, #tpu.memory_space<vmem>>) offsets(%dma_start3A_41 : memref<128xi32, #tpu.memory_space<vmem>>) semaphore(%arg19 : memref<!tpu.dma_semaphore, #tpu.memory_space<semaphore_mem>>)
    %dma_start3A_44 = arith.constant 896 : i32
    %dma_start3A_45 = tpu.memref_slice %arg8[%dma_start3A_44] : memref<2048xi32, #tpu.memory_space<vmem>> -> memref<128xi32, #tpu.memory_space<vmem>>
    %dma_start3A_46 = arith.constant 896 : i32
    %dma_start3A_47 = tpu.memref_slice %arg7[%dma_start3A_46] : memref<2048xi32, #tpu.memory_space<vmem>> -> memref<128xi32, #tpu.memory_space<vmem>>
    %dma_start3A_48 = arith.constant 0 : i32
    %dma_start3A_49 = tpu.memref_slice %arg3[%dma_start3A_48] : memref<16384xi32, #tpu.memory_space<hbm>> -> memref<16384xi32, #tpu.memory_space<hbm>>
    tpu.enqueue_indirect_dma source(%dma_start3A_49 : memref<16384xi32, #tpu.memory_space<hbm>>) target(%dma_start3A_45 : memref<128xi32, #tpu.memory_space<vmem>>) offsets(%dma_start3A_47 : memref<128xi32, #tpu.memory_space<vmem>>) semaphore(%arg20 : memref<!tpu.dma_semaphore, #tpu.memory_space<semaphore_mem>>)
    %dma_start3A_50 = arith.constant 1024 : i32
    %dma_start3A_51 = tpu.memref_slice %arg8[%dma_start3A_50] : memref<2048xi32, #tpu.memory_space<vmem>> -> memref<128xi32, #tpu.memory_space<vmem>>
    %dma_start3A_52 = arith.constant 1024 : i32
    %dma_start3A_53 = tpu.memref_slice %arg7[%dma_start3A_52] : memref<2048xi32, #tpu.memory_space<vmem>> -> memref<128xi32, #tpu.memory_space<vmem>>
    %dma_start3A_54 = arith.constant 0 : i32
    %dma_start3A_55 = tpu.memref_slice %arg3[%dma_start3A_54] : memref<16384xi32, #tpu.memory_space<hbm>> -> memref<16384xi32, #tpu.memory_space<hbm>>
    tpu.enqueue_indirect_dma source(%dma_start3A_55 : memref<16384xi32, #tpu.memory_space<hbm>>) target(%dma_start3A_51 : memref<128xi32, #tpu.memory_space<vmem>>) offsets(%dma_start3A_53 : memref<128xi32, #tpu.memory_space<vmem>>) semaphore(%arg21 : memref<!tpu.dma_semaphore, #tpu.memory_space<semaphore_mem>>)
    %dma_start3A_56 = arith.constant 1152 : i32
    %dma_start3A_57 = tpu.memref_slice %arg8[%dma_start3A_56] : memref<2048xi32, #tpu.memory_space<vmem>> -> memref<128xi32, #tpu.memory_space<vmem>>
    %dma_start3A_58 = arith.constant 1152 : i32
    %dma_start3A_59 = tpu.memref_slice %arg7[%dma_start3A_58] : memref<2048xi32, #tpu.memory_space<vmem>> -> memref<128xi32, #tpu.memory_space<vmem>>
    %dma_start3A_60 = arith.constant 0 : i32
    %dma_start3A_61 = tpu.memref_slice %arg3[%dma_start3A_60] : memref<16384xi32, #tpu.memory_space<hbm>> -> memref<16384xi32, #tpu.memory_space<hbm>>
    tpu.enqueue_indirect_dma source(%dma_start3A_61 : memref<16384xi32, #tpu.memory_space<hbm>>) target(%dma_start3A_57 : memref<128xi32, #tpu.memory_space<vmem>>) offsets(%dma_start3A_59 : memref<128xi32, #tpu.memory_space<vmem>>) semaphore(%arg22 : memref<!tpu.dma_semaphore, #tpu.memory_space<semaphore_mem>>)
    %dma_start3A_62 = arith.constant 1280 : i32
    %dma_start3A_63 = tpu.memref_slice %arg8[%dma_start3A_62] : memref<2048xi32, #tpu.memory_space<vmem>> -> memref<128xi32, #tpu.memory_space<vmem>>
    %dma_start3A_64 = arith.constant 1280 : i32
    %dma_start3A_65 = tpu.memref_slice %arg7[%dma_start3A_64] : memref<2048xi32, #tpu.memory_space<vmem>> -> memref<128xi32, #tpu.memory_space<vmem>>
    %dma_start3A_66 = arith.constant 0 : i32
    %dma_start3A_67 = tpu.memref_slice %arg3[%dma_start3A_66] : memref<16384xi32, #tpu.memory_space<hbm>> -> memref<16384xi32, #tpu.memory_space<hbm>>
    tpu.enqueue_indirect_dma source(%dma_start3A_67 : memref<16384xi32, #tpu.memory_space<hbm>>) target(%dma_start3A_63 : memref<128xi32, #tpu.memory_space<vmem>>) offsets(%dma_start3A_65 : memref<128xi32, #tpu.memory_space<vmem>>) semaphore(%arg23 : memref<!tpu.dma_semaphore, #tpu.memory_space<semaphore_mem>>)
    %dma_start3A_68 = arith.constant 1408 : i32
    %dma_start3A_69 = tpu.memref_slice %arg8[%dma_start3A_68] : memref<2048xi32, #tpu.memory_space<vmem>> -> memref<128xi32, #tpu.memory_space<vmem>>
    %dma_start3A_70 = arith.constant 1408 : i32
    %dma_start3A_71 = tpu.memref_slice %arg7[%dma_start3A_70] : memref<2048xi32, #tpu.memory_space<vmem>> -> memref<128xi32, #tpu.memory_space<vmem>>
    %dma_start3A_72 = arith.constant 0 : i32
    %dma_start3A_73 = tpu.memref_slice %arg3[%dma_start3A_72] : memref<16384xi32, #tpu.memory_space<hbm>> -> memref<16384xi32, #tpu.memory_space<hbm>>
    tpu.enqueue_indirect_dma source(%dma_start3A_73 : memref<16384xi32, #tpu.memory_space<hbm>>) target(%dma_start3A_69 : memref<128xi32, #tpu.memory_space<vmem>>) offsets(%dma_start3A_71 : memref<128xi32, #tpu.memory_space<vmem>>) semaphore(%arg24 : memref<!tpu.dma_semaphore, #tpu.memory_space<semaphore_mem>>)
    %dma_start3A_74 = arith.constant 1536 : i32
    %dma_start3A_75 = tpu.memref_slice %arg8[%dma_start3A_74] : memref<2048xi32, #tpu.memory_space<vmem>> -> memref<128xi32, #tpu.memory_space<vmem>>
    %dma_start3A_76 = arith.constant 1536 : i32
    %dma_start3A_77 = tpu.memref_slice %arg7[%dma_start3A_76] : memref<2048xi32, #tpu.memory_space<vmem>> -> memref<128xi32, #tpu.memory_space<vmem>>
    %dma_start3A_78 = arith.constant 0 : i32
    %dma_start3A_79 = tpu.memref_slice %arg3[%dma_start3A_78] : memref<16384xi32, #tpu.memory_space<hbm>> -> memref<16384xi32, #tpu.memory_space<hbm>>
    tpu.enqueue_indirect_dma source(%dma_start3A_79 : memref<16384xi32, #tpu.memory_space<hbm>>) target(%dma_start3A_75 : memref<128xi32, #tpu.memory_space<vmem>>) offsets(%dma_start3A_77 : memref<128xi32, #tpu.memory_space<vmem>>) semaphore(%arg25 : memref<!tpu.dma_semaphore, #tpu.memory_space<semaphore_mem>>)
    %dma_start3A_80 = arith.constant 1664 : i32
    %dma_start3A_81 = tpu.memref_slice %arg8[%dma_start3A_80] : memref<2048xi32, #tpu.memory_space<vmem>> -> memref<128xi32, #tpu.memory_space<vmem>>
    %dma_start3A_82 = arith.constant 1664 : i32
    %dma_start3A_83 = tpu.memref_slice %arg7[%dma_start3A_82] : memref<2048xi32, #tpu.memory_space<vmem>> -> memref<128xi32, #tpu.memory_space<vmem>>
    %dma_start3A_84 = arith.constant 0 : i32
    %dma_start3A_85 = tpu.memref_slice %arg3[%dma_start3A_84] : memref<16384xi32, #tpu.memory_space<hbm>> -> memref<16384xi32, #tpu.memory_space<hbm>>
    tpu.enqueue_indirect_dma source(%dma_start3A_85 : memref<16384xi32, #tpu.memory_space<hbm>>) target(%dma_start3A_81 : memref<128xi32, #tpu.memory_space<vmem>>) offsets(%dma_start3A_83 : memref<128xi32, #tpu.memory_space<vmem>>) semaphore(%arg26 : memref<!tpu.dma_semaphore, #tpu.memory_space<semaphore_mem>>)
    %dma_start3A_86 = arith.constant 1792 : i32
    %dma_start3A_87 = tpu.memref_slice %arg8[%dma_start3A_86] : memref<2048xi32, #tpu.memory_space<vmem>> -> memref<128xi32, #tpu.memory_space<vmem>>
    %dma_start3A_88 = arith.constant 1792 : i32
    %dma_start3A_89 = tpu.memref_slice %arg7[%dma_start3A_88] : memref<2048xi32, #tpu.memory_space<vmem>> -> memref<128xi32, #tpu.memory_space<vmem>>
    %dma_start3A_90 = arith.constant 0 : i32
    %dma_start3A_91 = tpu.memref_slice %arg3[%dma_start3A_90] : memref<16384xi32, #tpu.memory_space<hbm>> -> memref<16384xi32, #tpu.memory_space<hbm>>
    tpu.enqueue_indirect_dma source(%dma_start3A_91 : memref<16384xi32, #tpu.memory_space<hbm>>) target(%dma_start3A_87 : memref<128xi32, #tpu.memory_space<vmem>>) offsets(%dma_start3A_89 : memref<128xi32, #tpu.memory_space<vmem>>) semaphore(%arg27 : memref<!tpu.dma_semaphore, #tpu.memory_space<semaphore_mem>>)
    %dma_start3A_92 = arith.constant 1920 : i32
    %dma_start3A_93 = tpu.memref_slice %arg8[%dma_start3A_92] : memref<2048xi32, #tpu.memory_space<vmem>> -> memref<128xi32, #tpu.memory_space<vmem>>
    %dma_start3A_94 = arith.constant 1920 : i32
    %dma_start3A_95 = tpu.memref_slice %arg7[%dma_start3A_94] : memref<2048xi32, #tpu.memory_space<vmem>> -> memref<128xi32, #tpu.memory_space<vmem>>
    %dma_start3A_96 = arith.constant 0 : i32
    %dma_start3A_97 = tpu.memref_slice %arg3[%dma_start3A_96] : memref<16384xi32, #tpu.memory_space<hbm>> -> memref<16384xi32, #tpu.memory_space<hbm>>
    tpu.enqueue_indirect_dma source(%dma_start3A_97 : memref<16384xi32, #tpu.memory_space<hbm>>) target(%dma_start3A_93 : memref<128xi32, #tpu.memory_space<vmem>>) offsets(%dma_start3A_95 : memref<128xi32, #tpu.memory_space<vmem>>) semaphore(%arg28 : memref<!tpu.dma_semaphore, #tpu.memory_space<semaphore_mem>>)
    %dma_wait3A = arith.constant 0 : i32
    %dma_wait3A_98 = tpu.memref_slice %arg8[%dma_wait3A] : memref<2048xi32, #tpu.memory_space<vmem>> -> memref<128xi32, #tpu.memory_space<vmem>>
    %dma_wait3A_99 = arith.constant 0 : i32
    %dma_wait3A_100 = tpu.memref_slice %arg7[%dma_wait3A_99] : memref<2048xi32, #tpu.memory_space<vmem>> -> memref<128xi32, #tpu.memory_space<vmem>>
    %dma_wait3A_101 = arith.constant 0 : i32
    %dma_wait3A_102 = tpu.memref_slice %arg3[%dma_wait3A_101] : memref<16384xi32, #tpu.memory_space<hbm>> -> memref<16384xi32, #tpu.memory_space<hbm>>
    tpu.wait_indirect_dma semaphore(%arg13 : memref<!tpu.dma_semaphore, #tpu.memory_space<semaphore_mem>>) src(%dma_wait3A_102 : memref<16384xi32, #tpu.memory_space<hbm>>) dst(%dma_wait3A_98 : memref<128xi32, #tpu.memory_space<vmem>>)
    %dma_start3A_103 = arith.constant 0 : i32
    %dma_start3A_104 = tpu.memref_slice %arg8[%dma_start3A_103] : memref<2048xi32, #tpu.memory_space<vmem>> -> memref<128xi32, #tpu.memory_space<vmem>>
    %dma_start3A_105 = arith.constant 0 : i32
    %dma_start3A_106 = arith.constant 0 : i32
    %dma_start3A_107 = tpu.memref_slice %arg2[%dma_start3A_105, %dma_start3A_106] : memref<100001x128xf32, #tpu.memory_space<hbm>> -> memref<100001x128xf32, #tpu.memory_space<hbm>>
    tpu.enqueue_indirect_dma source(%dma_start3A_107 : memref<100001x128xf32, #tpu.memory_space<hbm>>) target(%arg9 : memref<128x128xf32, #tpu.memory_space<vmem>>) offsets(%dma_start3A_104 : memref<128xi32, #tpu.memory_space<vmem>>) semaphore(%arg30 : memref<!tpu.dma_semaphore, #tpu.memory_space<semaphore_mem>>)
    %dma_wait3A_108 = arith.constant 128 : i32
    %dma_wait3A_109 = tpu.memref_slice %arg8[%dma_wait3A_108] : memref<2048xi32, #tpu.memory_space<vmem>> -> memref<128xi32, #tpu.memory_space<vmem>>
    %dma_wait3A_110 = arith.constant 128 : i32
    %dma_wait3A_111 = tpu.memref_slice %arg7[%dma_wait3A_110] : memref<2048xi32, #tpu.memory_space<vmem>> -> memref<128xi32, #tpu.memory_space<vmem>>
    %dma_wait3A_112 = arith.constant 0 : i32
    %dma_wait3A_113 = tpu.memref_slice %arg3[%dma_wait3A_112] : memref<16384xi32, #tpu.memory_space<hbm>> -> memref<16384xi32, #tpu.memory_space<hbm>>
    tpu.wait_indirect_dma semaphore(%arg14 : memref<!tpu.dma_semaphore, #tpu.memory_space<semaphore_mem>>) src(%dma_wait3A_113 : memref<16384xi32, #tpu.memory_space<hbm>>) dst(%dma_wait3A_109 : memref<128xi32, #tpu.memory_space<vmem>>)
    %dma_start3A_114 = arith.constant 128 : i32
    %dma_start3A_115 = tpu.memref_slice %arg8[%dma_start3A_114] : memref<2048xi32, #tpu.memory_space<vmem>> -> memref<128xi32, #tpu.memory_space<vmem>>
    %dma_start3A_116 = arith.constant 0 : i32
    %dma_start3A_117 = arith.constant 0 : i32
    %dma_start3A_118 = tpu.memref_slice %arg2[%dma_start3A_116, %dma_start3A_117] : memref<100001x128xf32, #tpu.memory_space<hbm>> -> memref<100001x128xf32, #tpu.memory_space<hbm>>
    tpu.enqueue_indirect_dma source(%dma_start3A_118 : memref<100001x128xf32, #tpu.memory_space<hbm>>) target(%arg10 : memref<128x128xf32, #tpu.memory_space<vmem>>) offsets(%dma_start3A_115 : memref<128xi32, #tpu.memory_space<vmem>>) semaphore(%arg31 : memref<!tpu.dma_semaphore, #tpu.memory_space<semaphore_mem>>)
    %dma_wait3A_119 = arith.constant 256 : i32
    %dma_wait3A_120 = tpu.memref_slice %arg8[%dma_wait3A_119] : memref<2048xi32, #tpu.memory_space<vmem>> -> memref<128xi32, #tpu.memory_space<vmem>>
    %dma_wait3A_121 = arith.constant 256 : i32
    %dma_wait3A_122 = tpu.memref_slice %arg7[%dma_wait3A_121] : memref<2048xi32, #tpu.memory_space<vmem>> -> memref<128xi32, #tpu.memory_space<vmem>>
    %dma_wait3A_123 = arith.constant 0 : i32
    %dma_wait3A_124 = tpu.memref_slice %arg3[%dma_wait3A_123] : memref<16384xi32, #tpu.memory_space<hbm>> -> memref<16384xi32, #tpu.memory_space<hbm>>
    tpu.wait_indirect_dma semaphore(%arg15 : memref<!tpu.dma_semaphore, #tpu.memory_space<semaphore_mem>>) src(%dma_wait3A_124 : memref<16384xi32, #tpu.memory_space<hbm>>) dst(%dma_wait3A_120 : memref<128xi32, #tpu.memory_space<vmem>>)
    %dma_start3A_125 = arith.constant 256 : i32
    %dma_start3A_126 = tpu.memref_slice %arg8[%dma_start3A_125] : memref<2048xi32, #tpu.memory_space<vmem>> -> memref<128xi32, #tpu.memory_space<vmem>>
    %dma_start3A_127 = arith.constant 0 : i32
    %dma_start3A_128 = arith.constant 0 : i32
    %dma_start3A_129 = tpu.memref_slice %arg2[%dma_start3A_127, %dma_start3A_128] : memref<100001x128xf32, #tpu.memory_space<hbm>> -> memref<100001x128xf32, #tpu.memory_space<hbm>>
    tpu.enqueue_indirect_dma source(%dma_start3A_129 : memref<100001x128xf32, #tpu.memory_space<hbm>>) target(%arg11 : memref<128x128xf32, #tpu.memory_space<vmem>>) offsets(%dma_start3A_126 : memref<128xi32, #tpu.memory_space<vmem>>) semaphore(%arg32 : memref<!tpu.dma_semaphore, #tpu.memory_space<semaphore_mem>>)
    %dma_wait3A_130 = arith.constant 384 : i32
    %dma_wait3A_131 = tpu.memref_slice %arg8[%dma_wait3A_130] : memref<2048xi32, #tpu.memory_space<vmem>> -> memref<128xi32, #tpu.memory_space<vmem>>
    %dma_wait3A_132 = arith.constant 384 : i32
    %dma_wait3A_133 = tpu.memref_slice %arg7[%dma_wait3A_132] : memref<2048xi32, #tpu.memory_space<vmem>> -> memref<128xi32, #tpu.memory_space<vmem>>
    %dma_wait3A_134 = arith.constant 0 : i32
    %dma_wait3A_135 = tpu.memref_slice %arg3[%dma_wait3A_134] : memref<16384xi32, #tpu.memory_space<hbm>> -> memref<16384xi32, #tpu.memory_space<hbm>>
    tpu.wait_indirect_dma semaphore(%arg16 : memref<!tpu.dma_semaphore, #tpu.memory_space<semaphore_mem>>) src(%dma_wait3A_135 : memref<16384xi32, #tpu.memory_space<hbm>>) dst(%dma_wait3A_131 : memref<128xi32, #tpu.memory_space<vmem>>)
    %dma_start3A_136 = arith.constant 384 : i32
    %dma_start3A_137 = tpu.memref_slice %arg8[%dma_start3A_136] : memref<2048xi32, #tpu.memory_space<vmem>> -> memref<128xi32, #tpu.memory_space<vmem>>
    %dma_start3A_138 = arith.constant 0 : i32
    %dma_start3A_139 = arith.constant 0 : i32
    %dma_start3A_140 = tpu.memref_slice %arg2[%dma_start3A_138, %dma_start3A_139] : memref<100001x128xf32, #tpu.memory_space<hbm>> -> memref<100001x128xf32, #tpu.memory_space<hbm>>
    tpu.enqueue_indirect_dma source(%dma_start3A_140 : memref<100001x128xf32, #tpu.memory_space<hbm>>) target(%arg12 : memref<128x128xf32, #tpu.memory_space<vmem>>) offsets(%dma_start3A_137 : memref<128xi32, #tpu.memory_space<vmem>>) semaphore(%arg33 : memref<!tpu.dma_semaphore, #tpu.memory_space<semaphore_mem>>)
    %dma_wait3A_141 = arith.constant 0 : i32
    %dma_wait3A_142 = tpu.memref_slice %arg8[%dma_wait3A_141] : memref<2048xi32, #tpu.memory_space<vmem>> -> memref<128xi32, #tpu.memory_space<vmem>>
    %dma_wait3A_143 = arith.constant 0 : i32
    %dma_wait3A_144 = arith.constant 0 : i32
    %dma_wait3A_145 = tpu.memref_slice %arg2[%dma_wait3A_143, %dma_wait3A_144] : memref<100001x128xf32, #tpu.memory_space<hbm>> -> memref<100001x128xf32, #tpu.memory_space<hbm>>
    tpu.wait_indirect_dma semaphore(%arg30 : memref<!tpu.dma_semaphore, #tpu.memory_space<semaphore_mem>>) src(%dma_wait3A_145 : memref<100001x128xf32, #tpu.memory_space<hbm>>) dst(%arg9 : memref<128x128xf32, #tpu.memory_space<vmem>>)
    %add3A_146 = arith.constant 0 : i32
    %add3A_147 = arith.addi %mul3A_2, %add3A_146 : i32
    %dma_start3A_148 = arith.constant 0 : i32
    %dma_start3A_149 = tpu.memref_slice %arg5[%add3A_147, %dma_start3A_148] : memref<65536x128xf32, #tpu.memory_space<hbm>> -> memref<128x128xf32, #tpu.memory_space<hbm>>
    %dma_start3A_150 = arith.constant 0 : i32
    %dma_start3A_151 = tpu.memref_slice %arg5[%add3A_147, %dma_start3A_150] : memref<65536x128xf32, #tpu.memory_space<hbm>> -> memref<128x128xf32, #tpu.memory_space<hbm>>
    tpu.enqueue_dma source(%arg9 : memref<128x128xf32, #tpu.memory_space<vmem>>) target(%dma_start3A_151 : memref<128x128xf32, #tpu.memory_space<hbm>>) target_semaphore(%arg34 : memref<!tpu.dma_semaphore, #tpu.memory_space<semaphore_mem>>)
    %dma_wait3A_152 = arith.constant 0 : i32
    %dma_wait3A_153 = tpu.memref_slice %arg5[%add3A_147, %dma_wait3A_152] : memref<65536x128xf32, #tpu.memory_space<hbm>> -> memref<128x128xf32, #tpu.memory_space<hbm>>
    %dma_wait3A_154 = arith.constant 0 : i32
    %dma_wait3A_155 = tpu.memref_slice %arg5[%add3A_147, %dma_wait3A_154] : memref<65536x128xf32, #tpu.memory_space<hbm>> -> memref<128x128xf32, #tpu.memory_space<hbm>>
    tpu.wait_dma2 semaphore(%arg34 : memref<!tpu.dma_semaphore, #tpu.memory_space<semaphore_mem>>) src(%arg9 : memref<128x128xf32, #tpu.memory_space<vmem>>) dst(%dma_wait3A_155 : memref<128x128xf32, #tpu.memory_space<hbm>>)
    %dma_wait3A_156 = arith.constant 512 : i32
    %dma_wait3A_157 = tpu.memref_slice %arg8[%dma_wait3A_156] : memref<2048xi32, #tpu.memory_space<vmem>> -> memref<128xi32, #tpu.memory_space<vmem>>
    %dma_wait3A_158 = arith.constant 512 : i32
    %dma_wait3A_159 = tpu.memref_slice %arg7[%dma_wait3A_158] : memref<2048xi32, #tpu.memory_space<vmem>> -> memref<128xi32, #tpu.memory_space<vmem>>
    %dma_wait3A_160 = arith.constant 0 : i32
    %dma_wait3A_161 = tpu.memref_slice %arg3[%dma_wait3A_160] : memref<16384xi32, #tpu.memory_space<hbm>> -> memref<16384xi32, #tpu.memory_space<hbm>>
    tpu.wait_indirect_dma semaphore(%arg17 : memref<!tpu.dma_semaphore, #tpu.memory_space<semaphore_mem>>) src(%dma_wait3A_161 : memref<16384xi32, #tpu.memory_space<hbm>>) dst(%dma_wait3A_157 : memref<128xi32, #tpu.memory_space<vmem>>)
    %dma_start3A_162 = arith.constant 512 : i32
    %dma_start3A_163 = tpu.memref_slice %arg8[%dma_start3A_162] : memref<2048xi32, #tpu.memory_space<vmem>> -> memref<128xi32, #tpu.memory_space<vmem>>
    %dma_start3A_164 = arith.constant 0 : i32
    %dma_start3A_165 = arith.constant 0 : i32
    %dma_start3A_166 = tpu.memref_slice %arg2[%dma_start3A_164, %dma_start3A_165] : memref<100001x128xf32, #tpu.memory_space<hbm>> -> memref<100001x128xf32, #tpu.memory_space<hbm>>
    tpu.enqueue_indirect_dma source(%dma_start3A_166 : memref<100001x128xf32, #tpu.memory_space<hbm>>) target(%arg9 : memref<128x128xf32, #tpu.memory_space<vmem>>) offsets(%dma_start3A_163 : memref<128xi32, #tpu.memory_space<vmem>>) semaphore(%arg30 : memref<!tpu.dma_semaphore, #tpu.memory_space<semaphore_mem>>)
    %dma_wait3A_167 = arith.constant 128 : i32
    %dma_wait3A_168 = tpu.memref_slice %arg8[%dma_wait3A_167] : memref<2048xi32, #tpu.memory_space<vmem>> -> memref<128xi32, #tpu.memory_space<vmem>>
    %dma_wait3A_169 = arith.constant 0 : i32
    %dma_wait3A_170 = arith.constant 0 : i32
    %dma_wait3A_171 = tpu.memref_slice %arg2[%dma_wait3A_169, %dma_wait3A_170] : memref<100001x128xf32, #tpu.memory_space<hbm>> -> memref<100001x128xf32, #tpu.memory_space<hbm>>
    tpu.wait_indirect_dma semaphore(%arg31 : memref<!tpu.dma_semaphore, #tpu.memory_space<semaphore_mem>>) src(%dma_wait3A_171 : memref<100001x128xf32, #tpu.memory_space<hbm>>) dst(%arg10 : memref<128x128xf32, #tpu.memory_space<vmem>>)
    %add3A_172 = arith.constant 128 : i32
    %add3A_173 = arith.addi %mul3A_2, %add3A_172 : i32
    %dma_start3A_174 = arith.constant 0 : i32
    %dma_start3A_175 = tpu.memref_slice %arg5[%add3A_173, %dma_start3A_174] : memref<65536x128xf32, #tpu.memory_space<hbm>> -> memref<128x128xf32, #tpu.memory_space<hbm>>
    %dma_start3A_176 = arith.constant 0 : i32
    %dma_start3A_177 = tpu.memref_slice %arg5[%add3A_173, %dma_start3A_176] : memref<65536x128xf32, #tpu.memory_space<hbm>> -> memref<128x128xf32, #tpu.memory_space<hbm>>
    tpu.enqueue_dma source(%arg10 : memref<128x128xf32, #tpu.memory_space<vmem>>) target(%dma_start3A_177 : memref<128x128xf32, #tpu.memory_space<hbm>>) target_semaphore(%arg35 : memref<!tpu.dma_semaphore, #tpu.memory_space<semaphore_mem>>)
    %dma_wait3A_178 = arith.constant 0 : i32
    %dma_wait3A_179 = tpu.memref_slice %arg5[%add3A_173, %dma_wait3A_178] : memref<65536x128xf32, #tpu.memory_space<hbm>> -> memref<128x128xf32, #tpu.memory_space<hbm>>
    %dma_wait3A_180 = arith.constant 0 : i32
    %dma_wait3A_181 = tpu.memref_slice %arg5[%add3A_173, %dma_wait3A_180] : memref<65536x128xf32, #tpu.memory_space<hbm>> -> memref<128x128xf32, #tpu.memory_space<hbm>>
    tpu.wait_dma2 semaphore(%arg35 : memref<!tpu.dma_semaphore, #tpu.memory_space<semaphore_mem>>) src(%arg10 : memref<128x128xf32, #tpu.memory_space<vmem>>) dst(%dma_wait3A_181 : memref<128x128xf32, #tpu.memory_space<hbm>>)
    %dma_wait3A_182 = arith.constant 640 : i32
    %dma_wait3A_183 = tpu.memref_slice %arg8[%dma_wait3A_182] : memref<2048xi32, #tpu.memory_space<vmem>> -> memref<128xi32, #tpu.memory_space<vmem>>
    %dma_wait3A_184 = arith.constant 640 : i32
    %dma_wait3A_185 = tpu.memref_slice %arg7[%dma_wait3A_184] : memref<2048xi32, #tpu.memory_space<vmem>> -> memref<128xi32, #tpu.memory_space<vmem>>
    %dma_wait3A_186 = arith.constant 0 : i32
    %dma_wait3A_187 = tpu.memref_slice %arg3[%dma_wait3A_186] : memref<16384xi32, #tpu.memory_space<hbm>> -> memref<16384xi32, #tpu.memory_space<hbm>>
    tpu.wait_indirect_dma semaphore(%arg18 : memref<!tpu.dma_semaphore, #tpu.memory_space<semaphore_mem>>) src(%dma_wait3A_187 : memref<16384xi32, #tpu.memory_space<hbm>>) dst(%dma_wait3A_183 : memref<128xi32, #tpu.memory_space<vmem>>)
    %dma_start3A_188 = arith.constant 640 : i32
    %dma_start3A_189 = tpu.memref_slice %arg8[%dma_start3A_188] : memref<2048xi32, #tpu.memory_space<vmem>> -> memref<128xi32, #tpu.memory_space<vmem>>
    %dma_start3A_190 = arith.constant 0 : i32
    %dma_start3A_191 = arith.constant 0 : i32
    %dma_start3A_192 = tpu.memref_slice %arg2[%dma_start3A_190, %dma_start3A_191] : memref<100001x128xf32, #tpu.memory_space<hbm>> -> memref<100001x128xf32, #tpu.memory_space<hbm>>
    tpu.enqueue_indirect_dma source(%dma_start3A_192 : memref<100001x128xf32, #tpu.memory_space<hbm>>) target(%arg10 : memref<128x128xf32, #tpu.memory_space<vmem>>) offsets(%dma_start3A_189 : memref<128xi32, #tpu.memory_space<vmem>>) semaphore(%arg31 : memref<!tpu.dma_semaphore, #tpu.memory_space<semaphore_mem>>)
    %dma_wait3A_193 = arith.constant 256 : i32
    %dma_wait3A_194 = tpu.memref_slice %arg8[%dma_wait3A_193] : memref<2048xi32, #tpu.memory_space<vmem>> -> memref<128xi32, #tpu.memory_space<vmem>>
    %dma_wait3A_195 = arith.constant 0 : i32
    %dma_wait3A_196 = arith.constant 0 : i32
    %dma_wait3A_197 = tpu.memref_slice %arg2[%dma_wait3A_195, %dma_wait3A_196] : memref<100001x128xf32, #tpu.memory_space<hbm>> -> memref<100001x128xf32, #tpu.memory_space<hbm>>
    tpu.wait_indirect_dma semaphore(%arg32 : memref<!tpu.dma_semaphore, #tpu.memory_space<semaphore_mem>>) src(%dma_wait3A_197 : memref<100001x128xf32, #tpu.memory_space<hbm>>) dst(%arg11 : memref<128x128xf32, #tpu.memory_space<vmem>>)
    %add3A_198 = arith.constant 256 : i32
    %add3A_199 = arith.addi %mul3A_2, %add3A_198 : i32
    %dma_start3A_200 = arith.constant 0 : i32
    %dma_start3A_201 = tpu.memref_slice %arg5[%add3A_199, %dma_start3A_200] : memref<65536x128xf32, #tpu.memory_space<hbm>> -> memref<128x128xf32, #tpu.memory_space<hbm>>
    %dma_start3A_202 = arith.constant 0 : i32
    %dma_start3A_203 = tpu.memref_slice %arg5[%add3A_199, %dma_start3A_202] : memref<65536x128xf32, #tpu.memory_space<hbm>> -> memref<128x128xf32, #tpu.memory_space<hbm>>
    tpu.enqueue_dma source(%arg11 : memref<128x128xf32, #tpu.memory_space<vmem>>) target(%dma_start3A_203 : memref<128x128xf32, #tpu.memory_space<hbm>>) target_semaphore(%arg36 : memref<!tpu.dma_semaphore, #tpu.memory_space<semaphore_mem>>)
    %dma_wait3A_204 = arith.constant 0 : i32
    %dma_wait3A_205 = tpu.memref_slice %arg5[%add3A_199, %dma_wait3A_204] : memref<65536x128xf32, #tpu.memory_space<hbm>> -> memref<128x128xf32, #tpu.memory_space<hbm>>
    %dma_wait3A_206 = arith.constant 0 : i32
    %dma_wait3A_207 = tpu.memref_slice %arg5[%add3A_199, %dma_wait3A_206] : memref<65536x128xf32, #tpu.memory_space<hbm>> -> memref<128x128xf32, #tpu.memory_space<hbm>>
    tpu.wait_dma2 semaphore(%arg36 : memref<!tpu.dma_semaphore, #tpu.memory_space<semaphore_mem>>) src(%arg11 : memref<128x128xf32, #tpu.memory_space<vmem>>) dst(%dma_wait3A_207 : memref<128x128xf32, #tpu.memory_space<hbm>>)
    %dma_wait3A_208 = arith.constant 768 : i32
    %dma_wait3A_209 = tpu.memref_slice %arg8[%dma_wait3A_208] : memref<2048xi32, #tpu.memory_space<vmem>> -> memref<128xi32, #tpu.memory_space<vmem>>
    %dma_wait3A_210 = arith.constant 768 : i32
    %dma_wait3A_211 = tpu.memref_slice %arg7[%dma_wait3A_210] : memref<2048xi32, #tpu.memory_space<vmem>> -> memref<128xi32, #tpu.memory_space<vmem>>
    %dma_wait3A_212 = arith.constant 0 : i32
    %dma_wait3A_213 = tpu.memref_slice %arg3[%dma_wait3A_212] : memref<16384xi32, #tpu.memory_space<hbm>> -> memref<16384xi32, #tpu.memory_space<hbm>>
    tpu.wait_indirect_dma semaphore(%arg19 : memref<!tpu.dma_semaphore, #tpu.memory_space<semaphore_mem>>) src(%dma_wait3A_213 : memref<16384xi32, #tpu.memory_space<hbm>>) dst(%dma_wait3A_209 : memref<128xi32, #tpu.memory_space<vmem>>)
    %dma_start3A_214 = arith.constant 768 : i32
    %dma_start3A_215 = tpu.memref_slice %arg8[%dma_start3A_214] : memref<2048xi32, #tpu.memory_space<vmem>> -> memref<128xi32, #tpu.memory_space<vmem>>
    %dma_start3A_216 = arith.constant 0 : i32
    %dma_start3A_217 = arith.constant 0 : i32
    %dma_start3A_218 = tpu.memref_slice %arg2[%dma_start3A_216, %dma_start3A_217] : memref<100001x128xf32, #tpu.memory_space<hbm>> -> memref<100001x128xf32, #tpu.memory_space<hbm>>
    tpu.enqueue_indirect_dma source(%dma_start3A_218 : memref<100001x128xf32, #tpu.memory_space<hbm>>) target(%arg11 : memref<128x128xf32, #tpu.memory_space<vmem>>) offsets(%dma_start3A_215 : memref<128xi32, #tpu.memory_space<vmem>>) semaphore(%arg32 : memref<!tpu.dma_semaphore, #tpu.memory_space<semaphore_mem>>)
    %dma_wait3A_219 = arith.constant 384 : i32
    %dma_wait3A_220 = tpu.memref_slice %arg8[%dma_wait3A_219] : memref<2048xi32, #tpu.memory_space<vmem>> -> memref<128xi32, #tpu.memory_space<vmem>>
    %dma_wait3A_221 = arith.constant 0 : i32
    %dma_wait3A_222 = arith.constant 0 : i32
    %dma_wait3A_223 = tpu.memref_slice %arg2[%dma_wait3A_221, %dma_wait3A_222] : memref<100001x128xf32, #tpu.memory_space<hbm>> -> memref<100001x128xf32, #tpu.memory_space<hbm>>
    tpu.wait_indirect_dma semaphore(%arg33 : memref<!tpu.dma_semaphore, #tpu.memory_space<semaphore_mem>>) src(%dma_wait3A_223 : memref<100001x128xf32, #tpu.memory_space<hbm>>) dst(%arg12 : memref<128x128xf32, #tpu.memory_space<vmem>>)
    %add3A_224 = arith.constant 384 : i32
    %add3A_225 = arith.addi %mul3A_2, %add3A_224 : i32
    %dma_start3A_226 = arith.constant 0 : i32
    %dma_start3A_227 = tpu.memref_slice %arg5[%add3A_225, %dma_start3A_226] : memref<65536x128xf32, #tpu.memory_space<hbm>> -> memref<128x128xf32, #tpu.memory_space<hbm>>
    %dma_start3A_228 = arith.constant 0 : i32
    %dma_start3A_229 = tpu.memref_slice %arg5[%add3A_225, %dma_start3A_228] : memref<65536x128xf32, #tpu.memory_space<hbm>> -> memref<128x128xf32, #tpu.memory_space<hbm>>
    tpu.enqueue_dma source(%arg12 : memref<128x128xf32, #tpu.memory_space<vmem>>) target(%dma_start3A_229 : memref<128x128xf32, #tpu.memory_space<hbm>>) target_semaphore(%arg37 : memref<!tpu.dma_semaphore, #tpu.memory_space<semaphore_mem>>)
    %dma_wait3A_230 = arith.constant 0 : i32
    %dma_wait3A_231 = tpu.memref_slice %arg5[%add3A_225, %dma_wait3A_230] : memref<65536x128xf32, #tpu.memory_space<hbm>> -> memref<128x128xf32, #tpu.memory_space<hbm>>
    %dma_wait3A_232 = arith.constant 0 : i32
    %dma_wait3A_233 = tpu.memref_slice %arg5[%add3A_225, %dma_wait3A_232] : memref<65536x128xf32, #tpu.memory_space<hbm>> -> memref<128x128xf32, #tpu.memory_space<hbm>>
    tpu.wait_dma2 semaphore(%arg37 : memref<!tpu.dma_semaphore, #tpu.memory_space<semaphore_mem>>) src(%arg12 : memref<128x128xf32, #tpu.memory_space<vmem>>) dst(%dma_wait3A_233 : memref<128x128xf32, #tpu.memory_space<hbm>>)
    %dma_wait3A_234 = arith.constant 896 : i32
    %dma_wait3A_235 = tpu.memref_slice %arg8[%dma_wait3A_234] : memref<2048xi32, #tpu.memory_space<vmem>> -> memref<128xi32, #tpu.memory_space<vmem>>
    %dma_wait3A_236 = arith.constant 896 : i32
    %dma_wait3A_237 = tpu.memref_slice %arg7[%dma_wait3A_236] : memref<2048xi32, #tpu.memory_space<vmem>> -> memref<128xi32, #tpu.memory_space<vmem>>
    %dma_wait3A_238 = arith.constant 0 : i32
    %dma_wait3A_239 = tpu.memref_slice %arg3[%dma_wait3A_238] : memref<16384xi32, #tpu.memory_space<hbm>> -> memref<16384xi32, #tpu.memory_space<hbm>>
    tpu.wait_indirect_dma semaphore(%arg20 : memref<!tpu.dma_semaphore, #tpu.memory_space<semaphore_mem>>) src(%dma_wait3A_239 : memref<16384xi32, #tpu.memory_space<hbm>>) dst(%dma_wait3A_235 : memref<128xi32, #tpu.memory_space<vmem>>)
    %dma_start3A_240 = arith.constant 896 : i32
    %dma_start3A_241 = tpu.memref_slice %arg8[%dma_start3A_240] : memref<2048xi32, #tpu.memory_space<vmem>> -> memref<128xi32, #tpu.memory_space<vmem>>
    %dma_start3A_242 = arith.constant 0 : i32
    %dma_start3A_243 = arith.constant 0 : i32
    %dma_start3A_244 = tpu.memref_slice %arg2[%dma_start3A_242, %dma_start3A_243] : memref<100001x128xf32, #tpu.memory_space<hbm>> -> memref<100001x128xf32, #tpu.memory_space<hbm>>
    tpu.enqueue_indirect_dma source(%dma_start3A_244 : memref<100001x128xf32, #tpu.memory_space<hbm>>) target(%arg12 : memref<128x128xf32, #tpu.memory_space<vmem>>) offsets(%dma_start3A_241 : memref<128xi32, #tpu.memory_space<vmem>>) semaphore(%arg33 : memref<!tpu.dma_semaphore, #tpu.memory_space<semaphore_mem>>)
    %dma_wait3A_245 = arith.constant 512 : i32
    %dma_wait3A_246 = tpu.memref_slice %arg8[%dma_wait3A_245] : memref<2048xi32, #tpu.memory_space<vmem>> -> memref<128xi32, #tpu.memory_space<vmem>>
    %dma_wait3A_247 = arith.constant 0 : i32
    %dma_wait3A_248 = arith.constant 0 : i32
    %dma_wait3A_249 = tpu.memref_slice %arg2[%dma_wait3A_247, %dma_wait3A_248] : memref<100001x128xf32, #tpu.memory_space<hbm>> -> memref<100001x128xf32, #tpu.memory_space<hbm>>
    tpu.wait_indirect_dma semaphore(%arg30 : memref<!tpu.dma_semaphore, #tpu.memory_space<semaphore_mem>>) src(%dma_wait3A_249 : memref<100001x128xf32, #tpu.memory_space<hbm>>) dst(%arg9 : memref<128x128xf32, #tpu.memory_space<vmem>>)
    %add3A_250 = arith.constant 512 : i32
    %add3A_251 = arith.addi %mul3A_2, %add3A_250 : i32
    %dma_start3A_252 = arith.constant 0 : i32
    %dma_start3A_253 = tpu.memref_slice %arg5[%add3A_251, %dma_start3A_252] : memref<65536x128xf32, #tpu.memory_space<hbm>> -> memref<128x128xf32, #tpu.memory_space<hbm>>
    %dma_start3A_254 = arith.constant 0 : i32
    %dma_start3A_255 = tpu.memref_slice %arg5[%add3A_251, %dma_start3A_254] : memref<65536x128xf32, #tpu.memory_space<hbm>> -> memref<128x128xf32, #tpu.memory_space<hbm>>
    tpu.enqueue_dma source(%arg9 : memref<128x128xf32, #tpu.memory_space<vmem>>) target(%dma_start3A_255 : memref<128x128xf32, #tpu.memory_space<hbm>>) target_semaphore(%arg34 : memref<!tpu.dma_semaphore, #tpu.memory_space<semaphore_mem>>)
    %dma_wait3A_256 = arith.constant 0 : i32
    %dma_wait3A_257 = tpu.memref_slice %arg5[%add3A_251, %dma_wait3A_256] : memref<65536x128xf32, #tpu.memory_space<hbm>> -> memref<128x128xf32, #tpu.memory_space<hbm>>
    %dma_wait3A_258 = arith.constant 0 : i32
    %dma_wait3A_259 = tpu.memref_slice %arg5[%add3A_251, %dma_wait3A_258] : memref<65536x128xf32, #tpu.memory_space<hbm>> -> memref<128x128xf32, #tpu.memory_space<hbm>>
    tpu.wait_dma2 semaphore(%arg34 : memref<!tpu.dma_semaphore, #tpu.memory_space<semaphore_mem>>) src(%arg9 : memref<128x128xf32, #tpu.memory_space<vmem>>) dst(%dma_wait3A_259 : memref<128x128xf32, #tpu.memory_space<hbm>>)
    %dma_wait3A_260 = arith.constant 1024 : i32
    %dma_wait3A_261 = tpu.memref_slice %arg8[%dma_wait3A_260] : memref<2048xi32, #tpu.memory_space<vmem>> -> memref<128xi32, #tpu.memory_space<vmem>>
    %dma_wait3A_262 = arith.constant 1024 : i32
    %dma_wait3A_263 = tpu.memref_slice %arg7[%dma_wait3A_262] : memref<2048xi32, #tpu.memory_space<vmem>> -> memref<128xi32, #tpu.memory_space<vmem>>
    %dma_wait3A_264 = arith.constant 0 : i32
    %dma_wait3A_265 = tpu.memref_slice %arg3[%dma_wait3A_264] : memref<16384xi32, #tpu.memory_space<hbm>> -> memref<16384xi32, #tpu.memory_space<hbm>>
    tpu.wait_indirect_dma semaphore(%arg21 : memref<!tpu.dma_semaphore, #tpu.memory_space<semaphore_mem>>) src(%dma_wait3A_265 : memref<16384xi32, #tpu.memory_space<hbm>>) dst(%dma_wait3A_261 : memref<128xi32, #tpu.memory_space<vmem>>)
    %dma_start3A_266 = arith.constant 1024 : i32
    %dma_start3A_267 = tpu.memref_slice %arg8[%dma_start3A_266] : memref<2048xi32, #tpu.memory_space<vmem>> -> memref<128xi32, #tpu.memory_space<vmem>>
    %dma_start3A_268 = arith.constant 0 : i32
    %dma_start3A_269 = arith.constant 0 : i32
    %dma_start3A_270 = tpu.memref_slice %arg2[%dma_start3A_268, %dma_start3A_269] : memref<100001x128xf32, #tpu.memory_space<hbm>> -> memref<100001x128xf32, #tpu.memory_space<hbm>>
    tpu.enqueue_indirect_dma source(%dma_start3A_270 : memref<100001x128xf32, #tpu.memory_space<hbm>>) target(%arg9 : memref<128x128xf32, #tpu.memory_space<vmem>>) offsets(%dma_start3A_267 : memref<128xi32, #tpu.memory_space<vmem>>) semaphore(%arg30 : memref<!tpu.dma_semaphore, #tpu.memory_space<semaphore_mem>>)
    %dma_wait3A_271 = arith.constant 640 : i32
    %dma_wait3A_272 = tpu.memref_slice %arg8[%dma_wait3A_271] : memref<2048xi32, #tpu.memory_space<vmem>> -> memref<128xi32, #tpu.memory_space<vmem>>
    %dma_wait3A_273 = arith.constant 0 : i32
    %dma_wait3A_274 = arith.constant 0 : i32
    %dma_wait3A_275 = tpu.memref_slice %arg2[%dma_wait3A_273, %dma_wait3A_274] : memref<100001x128xf32, #tpu.memory_space<hbm>> -> memref<100001x128xf32, #tpu.memory_space<hbm>>
    tpu.wait_indirect_dma semaphore(%arg31 : memref<!tpu.dma_semaphore, #tpu.memory_space<semaphore_mem>>) src(%dma_wait3A_275 : memref<100001x128xf32, #tpu.memory_space<hbm>>) dst(%arg10 : memref<128x128xf32, #tpu.memory_space<vmem>>)
    %add3A_276 = arith.constant 640 : i32
    %add3A_277 = arith.addi %mul3A_2, %add3A_276 : i32
    %dma_start3A_278 = arith.constant 0 : i32
    %dma_start3A_279 = tpu.memref_slice %arg5[%add3A_277, %dma_start3A_278] : memref<65536x128xf32, #tpu.memory_space<hbm>> -> memref<128x128xf32, #tpu.memory_space<hbm>>
    %dma_start3A_280 = arith.constant 0 : i32
    %dma_start3A_281 = tpu.memref_slice %arg5[%add3A_277, %dma_start3A_280] : memref<65536x128xf32, #tpu.memory_space<hbm>> -> memref<128x128xf32, #tpu.memory_space<hbm>>
    tpu.enqueue_dma source(%arg10 : memref<128x128xf32, #tpu.memory_space<vmem>>) target(%dma_start3A_281 : memref<128x128xf32, #tpu.memory_space<hbm>>) target_semaphore(%arg35 : memref<!tpu.dma_semaphore, #tpu.memory_space<semaphore_mem>>)
    %dma_wait3A_282 = arith.constant 0 : i32
    %dma_wait3A_283 = tpu.memref_slice %arg5[%add3A_277, %dma_wait3A_282] : memref<65536x128xf32, #tpu.memory_space<hbm>> -> memref<128x128xf32, #tpu.memory_space<hbm>>
    %dma_wait3A_284 = arith.constant 0 : i32
    %dma_wait3A_285 = tpu.memref_slice %arg5[%add3A_277, %dma_wait3A_284] : memref<65536x128xf32, #tpu.memory_space<hbm>> -> memref<128x128xf32, #tpu.memory_space<hbm>>
    tpu.wait_dma2 semaphore(%arg35 : memref<!tpu.dma_semaphore, #tpu.memory_space<semaphore_mem>>) src(%arg10 : memref<128x128xf32, #tpu.memory_space<vmem>>) dst(%dma_wait3A_285 : memref<128x128xf32, #tpu.memory_space<hbm>>)
    %dma_wait3A_286 = arith.constant 1152 : i32
    %dma_wait3A_287 = tpu.memref_slice %arg8[%dma_wait3A_286] : memref<2048xi32, #tpu.memory_space<vmem>> -> memref<128xi32, #tpu.memory_space<vmem>>
    %dma_wait3A_288 = arith.constant 1152 : i32
    %dma_wait3A_289 = tpu.memref_slice %arg7[%dma_wait3A_288] : memref<2048xi32, #tpu.memory_space<vmem>> -> memref<128xi32, #tpu.memory_space<vmem>>
    %dma_wait3A_290 = arith.constant 0 : i32
    %dma_wait3A_291 = tpu.memref_slice %arg3[%dma_wait3A_290] : memref<16384xi32, #tpu.memory_space<hbm>> -> memref<16384xi32, #tpu.memory_space<hbm>>
    tpu.wait_indirect_dma semaphore(%arg22 : memref<!tpu.dma_semaphore, #tpu.memory_space<semaphore_mem>>) src(%dma_wait3A_291 : memref<16384xi32, #tpu.memory_space<hbm>>) dst(%dma_wait3A_287 : memref<128xi32, #tpu.memory_space<vmem>>)
    %dma_start3A_292 = arith.constant 1152 : i32
    %dma_start3A_293 = tpu.memref_slice %arg8[%dma_start3A_292] : memref<2048xi32, #tpu.memory_space<vmem>> -> memref<128xi32, #tpu.memory_space<vmem>>
    %dma_start3A_294 = arith.constant 0 : i32
    %dma_start3A_295 = arith.constant 0 : i32
    %dma_start3A_296 = tpu.memref_slice %arg2[%dma_start3A_294, %dma_start3A_295] : memref<100001x128xf32, #tpu.memory_space<hbm>> -> memref<100001x128xf32, #tpu.memory_space<hbm>>
    tpu.enqueue_indirect_dma source(%dma_start3A_296 : memref<100001x128xf32, #tpu.memory_space<hbm>>) target(%arg10 : memref<128x128xf32, #tpu.memory_space<vmem>>) offsets(%dma_start3A_293 : memref<128xi32, #tpu.memory_space<vmem>>) semaphore(%arg31 : memref<!tpu.dma_semaphore, #tpu.memory_space<semaphore_mem>>)
    %dma_wait3A_297 = arith.constant 768 : i32
    %dma_wait3A_298 = tpu.memref_slice %arg8[%dma_wait3A_297] : memref<2048xi32, #tpu.memory_space<vmem>> -> memref<128xi32, #tpu.memory_space<vmem>>
    %dma_wait3A_299 = arith.constant 0 : i32
    %dma_wait3A_300 = arith.constant 0 : i32
    %dma_wait3A_301 = tpu.memref_slice %arg2[%dma_wait3A_299, %dma_wait3A_300] : memref<100001x128xf32, #tpu.memory_space<hbm>> -> memref<100001x128xf32, #tpu.memory_space<hbm>>
    tpu.wait_indirect_dma semaphore(%arg32 : memref<!tpu.dma_semaphore, #tpu.memory_space<semaphore_mem>>) src(%dma_wait3A_301 : memref<100001x128xf32, #tpu.memory_space<hbm>>) dst(%arg11 : memref<128x128xf32, #tpu.memory_space<vmem>>)
    %add3A_302 = arith.constant 768 : i32
    %add3A_303 = arith.addi %mul3A_2, %add3A_302 : i32
    %dma_start3A_304 = arith.constant 0 : i32
    %dma_start3A_305 = tpu.memref_slice %arg5[%add3A_303, %dma_start3A_304] : memref<65536x128xf32, #tpu.memory_space<hbm>> -> memref<128x128xf32, #tpu.memory_space<hbm>>
    %dma_start3A_306 = arith.constant 0 : i32
    %dma_start3A_307 = tpu.memref_slice %arg5[%add3A_303, %dma_start3A_306] : memref<65536x128xf32, #tpu.memory_space<hbm>> -> memref<128x128xf32, #tpu.memory_space<hbm>>
    tpu.enqueue_dma source(%arg11 : memref<128x128xf32, #tpu.memory_space<vmem>>) target(%dma_start3A_307 : memref<128x128xf32, #tpu.memory_space<hbm>>) target_semaphore(%arg36 : memref<!tpu.dma_semaphore, #tpu.memory_space<semaphore_mem>>)
    %dma_wait3A_308 = arith.constant 0 : i32
    %dma_wait3A_309 = tpu.memref_slice %arg5[%add3A_303, %dma_wait3A_308] : memref<65536x128xf32, #tpu.memory_space<hbm>> -> memref<128x128xf32, #tpu.memory_space<hbm>>
    %dma_wait3A_310 = arith.constant 0 : i32
    %dma_wait3A_311 = tpu.memref_slice %arg5[%add3A_303, %dma_wait3A_310] : memref<65536x128xf32, #tpu.memory_space<hbm>> -> memref<128x128xf32, #tpu.memory_space<hbm>>
    tpu.wait_dma2 semaphore(%arg36 : memref<!tpu.dma_semaphore, #tpu.memory_space<semaphore_mem>>) src(%arg11 : memref<128x128xf32, #tpu.memory_space<vmem>>) dst(%dma_wait3A_311 : memref<128x128xf32, #tpu.memory_space<hbm>>)
    %dma_wait3A_312 = arith.constant 1280 : i32
    %dma_wait3A_313 = tpu.memref_slice %arg8[%dma_wait3A_312] : memref<2048xi32, #tpu.memory_space<vmem>> -> memref<128xi32, #tpu.memory_space<vmem>>
    %dma_wait3A_314 = arith.constant 1280 : i32
    %dma_wait3A_315 = tpu.memref_slice %arg7[%dma_wait3A_314] : memref<2048xi32, #tpu.memory_space<vmem>> -> memref<128xi32, #tpu.memory_space<vmem>>
    %dma_wait3A_316 = arith.constant 0 : i32
    %dma_wait3A_317 = tpu.memref_slice %arg3[%dma_wait3A_316] : memref<16384xi32, #tpu.memory_space<hbm>> -> memref<16384xi32, #tpu.memory_space<hbm>>
    tpu.wait_indirect_dma semaphore(%arg23 : memref<!tpu.dma_semaphore, #tpu.memory_space<semaphore_mem>>) src(%dma_wait3A_317 : memref<16384xi32, #tpu.memory_space<hbm>>) dst(%dma_wait3A_313 : memref<128xi32, #tpu.memory_space<vmem>>)
    %dma_start3A_318 = arith.constant 1280 : i32
    %dma_start3A_319 = tpu.memref_slice %arg8[%dma_start3A_318] : memref<2048xi32, #tpu.memory_space<vmem>> -> memref<128xi32, #tpu.memory_space<vmem>>
    %dma_start3A_320 = arith.constant 0 : i32
    %dma_start3A_321 = arith.constant 0 : i32
    %dma_start3A_322 = tpu.memref_slice %arg2[%dma_start3A_320, %dma_start3A_321] : memref<100001x128xf32, #tpu.memory_space<hbm>> -> memref<100001x128xf32, #tpu.memory_space<hbm>>
    tpu.enqueue_indirect_dma source(%dma_start3A_322 : memref<100001x128xf32, #tpu.memory_space<hbm>>) target(%arg11 : memref<128x128xf32, #tpu.memory_space<vmem>>) offsets(%dma_start3A_319 : memref<128xi32, #tpu.memory_space<vmem>>) semaphore(%arg32 : memref<!tpu.dma_semaphore, #tpu.memory_space<semaphore_mem>>)
    %dma_wait3A_323 = arith.constant 896 : i32
    %dma_wait3A_324 = tpu.memref_slice %arg8[%dma_wait3A_323] : memref<2048xi32, #tpu.memory_space<vmem>> -> memref<128xi32, #tpu.memory_space<vmem>>
    %dma_wait3A_325 = arith.constant 0 : i32
    %dma_wait3A_326 = arith.constant 0 : i32
    %dma_wait3A_327 = tpu.memref_slice %arg2[%dma_wait3A_325, %dma_wait3A_326] : memref<100001x128xf32, #tpu.memory_space<hbm>> -> memref<100001x128xf32, #tpu.memory_space<hbm>>
    tpu.wait_indirect_dma semaphore(%arg33 : memref<!tpu.dma_semaphore, #tpu.memory_space<semaphore_mem>>) src(%dma_wait3A_327 : memref<100001x128xf32, #tpu.memory_space<hbm>>) dst(%arg12 : memref<128x128xf32, #tpu.memory_space<vmem>>)
    %add3A_328 = arith.constant 896 : i32
    %add3A_329 = arith.addi %mul3A_2, %add3A_328 : i32
    %dma_start3A_330 = arith.constant 0 : i32
    %dma_start3A_331 = tpu.memref_slice %arg5[%add3A_329, %dma_start3A_330] : memref<65536x128xf32, #tpu.memory_space<hbm>> -> memref<128x128xf32, #tpu.memory_space<hbm>>
    %dma_start3A_332 = arith.constant 0 : i32
    %dma_start3A_333 = tpu.memref_slice %arg5[%add3A_329, %dma_start3A_332] : memref<65536x128xf32, #tpu.memory_space<hbm>> -> memref<128x128xf32, #tpu.memory_space<hbm>>
    tpu.enqueue_dma source(%arg12 : memref<128x128xf32, #tpu.memory_space<vmem>>) target(%dma_start3A_333 : memref<128x128xf32, #tpu.memory_space<hbm>>) target_semaphore(%arg37 : memref<!tpu.dma_semaphore, #tpu.memory_space<semaphore_mem>>)
    %dma_wait3A_334 = arith.constant 0 : i32
    %dma_wait3A_335 = tpu.memref_slice %arg5[%add3A_329, %dma_wait3A_334] : memref<65536x128xf32, #tpu.memory_space<hbm>> -> memref<128x128xf32, #tpu.memory_space<hbm>>
    %dma_wait3A_336 = arith.constant 0 : i32
    %dma_wait3A_337 = tpu.memref_slice %arg5[%add3A_329, %dma_wait3A_336] : memref<65536x128xf32, #tpu.memory_space<hbm>> -> memref<128x128xf32, #tpu.memory_space<hbm>>
    tpu.wait_dma2 semaphore(%arg37 : memref<!tpu.dma_semaphore, #tpu.memory_space<semaphore_mem>>) src(%arg12 : memref<128x128xf32, #tpu.memory_space<vmem>>) dst(%dma_wait3A_337 : memref<128x128xf32, #tpu.memory_space<hbm>>)
    %dma_wait3A_338 = arith.constant 1408 : i32
    %dma_wait3A_339 = tpu.memref_slice %arg8[%dma_wait3A_338] : memref<2048xi32, #tpu.memory_space<vmem>> -> memref<128xi32, #tpu.memory_space<vmem>>
    %dma_wait3A_340 = arith.constant 1408 : i32
    %dma_wait3A_341 = tpu.memref_slice %arg7[%dma_wait3A_340] : memref<2048xi32, #tpu.memory_space<vmem>> -> memref<128xi32, #tpu.memory_space<vmem>>
    %dma_wait3A_342 = arith.constant 0 : i32
    %dma_wait3A_343 = tpu.memref_slice %arg3[%dma_wait3A_342] : memref<16384xi32, #tpu.memory_space<hbm>> -> memref<16384xi32, #tpu.memory_space<hbm>>
    tpu.wait_indirect_dma semaphore(%arg24 : memref<!tpu.dma_semaphore, #tpu.memory_space<semaphore_mem>>) src(%dma_wait3A_343 : memref<16384xi32, #tpu.memory_space<hbm>>) dst(%dma_wait3A_339 : memref<128xi32, #tpu.memory_space<vmem>>)
    %dma_start3A_344 = arith.constant 1408 : i32
    %dma_start3A_345 = tpu.memref_slice %arg8[%dma_start3A_344] : memref<2048xi32, #tpu.memory_space<vmem>> -> memref<128xi32, #tpu.memory_space<vmem>>
    %dma_start3A_346 = arith.constant 0 : i32
    %dma_start3A_347 = arith.constant 0 : i32
    %dma_start3A_348 = tpu.memref_slice %arg2[%dma_start3A_346, %dma_start3A_347] : memref<100001x128xf32, #tpu.memory_space<hbm>> -> memref<100001x128xf32, #tpu.memory_space<hbm>>
    tpu.enqueue_indirect_dma source(%dma_start3A_348 : memref<100001x128xf32, #tpu.memory_space<hbm>>) target(%arg12 : memref<128x128xf32, #tpu.memory_space<vmem>>) offsets(%dma_start3A_345 : memref<128xi32, #tpu.memory_space<vmem>>) semaphore(%arg33 : memref<!tpu.dma_semaphore, #tpu.memory_space<semaphore_mem>>)
    %dma_wait3A_349 = arith.constant 1024 : i32
    %dma_wait3A_350 = tpu.memref_slice %arg8[%dma_wait3A_349] : memref<2048xi32, #tpu.memory_space<vmem>> -> memref<128xi32, #tpu.memory_space<vmem>>
    %dma_wait3A_351 = arith.constant 0 : i32
    %dma_wait3A_352 = arith.constant 0 : i32
    %dma_wait3A_353 = tpu.memref_slice %arg2[%dma_wait3A_351, %dma_wait3A_352] : memref<100001x128xf32, #tpu.memory_space<hbm>> -> memref<100001x128xf32, #tpu.memory_space<hbm>>
    tpu.wait_indirect_dma semaphore(%arg30 : memref<!tpu.dma_semaphore, #tpu.memory_space<semaphore_mem>>) src(%dma_wait3A_353 : memref<100001x128xf32, #tpu.memory_space<hbm>>) dst(%arg9 : memref<128x128xf32, #tpu.memory_space<vmem>>)
    %add3A_354 = arith.constant 1024 : i32
    %add3A_355 = arith.addi %mul3A_2, %add3A_354 : i32
    %dma_start3A_356 = arith.constant 0 : i32
    %dma_start3A_357 = tpu.memref_slice %arg5[%add3A_355, %dma_start3A_356] : memref<65536x128xf32, #tpu.memory_space<hbm>> -> memref<128x128xf32, #tpu.memory_space<hbm>>
    %dma_start3A_358 = arith.constant 0 : i32
    %dma_start3A_359 = tpu.memref_slice %arg5[%add3A_355, %dma_start3A_358] : memref<65536x128xf32, #tpu.memory_space<hbm>> -> memref<128x128xf32, #tpu.memory_space<hbm>>
    tpu.enqueue_dma source(%arg9 : memref<128x128xf32, #tpu.memory_space<vmem>>) target(%dma_start3A_359 : memref<128x128xf32, #tpu.memory_space<hbm>>) target_semaphore(%arg34 : memref<!tpu.dma_semaphore, #tpu.memory_space<semaphore_mem>>)
    %dma_wait3A_360 = arith.constant 0 : i32
    %dma_wait3A_361 = tpu.memref_slice %arg5[%add3A_355, %dma_wait3A_360] : memref<65536x128xf32, #tpu.memory_space<hbm>> -> memref<128x128xf32, #tpu.memory_space<hbm>>
    %dma_wait3A_362 = arith.constant 0 : i32
    %dma_wait3A_363 = tpu.memref_slice %arg5[%add3A_355, %dma_wait3A_362] : memref<65536x128xf32, #tpu.memory_space<hbm>> -> memref<128x128xf32, #tpu.memory_space<hbm>>
    tpu.wait_dma2 semaphore(%arg34 : memref<!tpu.dma_semaphore, #tpu.memory_space<semaphore_mem>>) src(%arg9 : memref<128x128xf32, #tpu.memory_space<vmem>>) dst(%dma_wait3A_363 : memref<128x128xf32, #tpu.memory_space<hbm>>)
    %dma_wait3A_364 = arith.constant 1536 : i32
    %dma_wait3A_365 = tpu.memref_slice %arg8[%dma_wait3A_364] : memref<2048xi32, #tpu.memory_space<vmem>> -> memref<128xi32, #tpu.memory_space<vmem>>
    %dma_wait3A_366 = arith.constant 1536 : i32
    %dma_wait3A_367 = tpu.memref_slice %arg7[%dma_wait3A_366] : memref<2048xi32, #tpu.memory_space<vmem>> -> memref<128xi32, #tpu.memory_space<vmem>>
    %dma_wait3A_368 = arith.constant 0 : i32
    %dma_wait3A_369 = tpu.memref_slice %arg3[%dma_wait3A_368] : memref<16384xi32, #tpu.memory_space<hbm>> -> memref<16384xi32, #tpu.memory_space<hbm>>
    tpu.wait_indirect_dma semaphore(%arg25 : memref<!tpu.dma_semaphore, #tpu.memory_space<semaphore_mem>>) src(%dma_wait3A_369 : memref<16384xi32, #tpu.memory_space<hbm>>) dst(%dma_wait3A_365 : memref<128xi32, #tpu.memory_space<vmem>>)
    %dma_start3A_370 = arith.constant 1536 : i32
    %dma_start3A_371 = tpu.memref_slice %arg8[%dma_start3A_370] : memref<2048xi32, #tpu.memory_space<vmem>> -> memref<128xi32, #tpu.memory_space<vmem>>
    %dma_start3A_372 = arith.constant 0 : i32
    %dma_start3A_373 = arith.constant 0 : i32
    %dma_start3A_374 = tpu.memref_slice %arg2[%dma_start3A_372, %dma_start3A_373] : memref<100001x128xf32, #tpu.memory_space<hbm>> -> memref<100001x128xf32, #tpu.memory_space<hbm>>
    tpu.enqueue_indirect_dma source(%dma_start3A_374 : memref<100001x128xf32, #tpu.memory_space<hbm>>) target(%arg9 : memref<128x128xf32, #tpu.memory_space<vmem>>) offsets(%dma_start3A_371 : memref<128xi32, #tpu.memory_space<vmem>>) semaphore(%arg30 : memref<!tpu.dma_semaphore, #tpu.memory_space<semaphore_mem>>)
    %dma_wait3A_375 = arith.constant 1152 : i32
    %dma_wait3A_376 = tpu.memref_slice %arg8[%dma_wait3A_375] : memref<2048xi32, #tpu.memory_space<vmem>> -> memref<128xi32, #tpu.memory_space<vmem>>
    %dma_wait3A_377 = arith.constant 0 : i32
    %dma_wait3A_378 = arith.constant 0 : i32
    %dma_wait3A_379 = tpu.memref_slice %arg2[%dma_wait3A_377, %dma_wait3A_378] : memref<100001x128xf32, #tpu.memory_space<hbm>> -> memref<100001x128xf32, #tpu.memory_space<hbm>>
    tpu.wait_indirect_dma semaphore(%arg31 : memref<!tpu.dma_semaphore, #tpu.memory_space<semaphore_mem>>) src(%dma_wait3A_379 : memref<100001x128xf32, #tpu.memory_space<hbm>>) dst(%arg10 : memref<128x128xf32, #tpu.memory_space<vmem>>)
    %add3A_380 = arith.constant 1152 : i32
    %add3A_381 = arith.addi %mul3A_2, %add3A_380 : i32
    %dma_start3A_382 = arith.constant 0 : i32
    %dma_start3A_383 = tpu.memref_slice %arg5[%add3A_381, %dma_start3A_382] : memref<65536x128xf32, #tpu.memory_space<hbm>> -> memref<128x128xf32, #tpu.memory_space<hbm>>
    %dma_start3A_384 = arith.constant 0 : i32
    %dma_start3A_385 = tpu.memref_slice %arg5[%add3A_381, %dma_start3A_384] : memref<65536x128xf32, #tpu.memory_space<hbm>> -> memref<128x128xf32, #tpu.memory_space<hbm>>
    tpu.enqueue_dma source(%arg10 : memref<128x128xf32, #tpu.memory_space<vmem>>) target(%dma_start3A_385 : memref<128x128xf32, #tpu.memory_space<hbm>>) target_semaphore(%arg35 : memref<!tpu.dma_semaphore, #tpu.memory_space<semaphore_mem>>)
    %dma_wait3A_386 = arith.constant 0 : i32
    %dma_wait3A_387 = tpu.memref_slice %arg5[%add3A_381, %dma_wait3A_386] : memref<65536x128xf32, #tpu.memory_space<hbm>> -> memref<128x128xf32, #tpu.memory_space<hbm>>
    %dma_wait3A_388 = arith.constant 0 : i32
    %dma_wait3A_389 = tpu.memref_slice %arg5[%add3A_381, %dma_wait3A_388] : memref<65536x128xf32, #tpu.memory_space<hbm>> -> memref<128x128xf32, #tpu.memory_space<hbm>>
    tpu.wait_dma2 semaphore(%arg35 : memref<!tpu.dma_semaphore, #tpu.memory_space<semaphore_mem>>) src(%arg10 : memref<128x128xf32, #tpu.memory_space<vmem>>) dst(%dma_wait3A_389 : memref<128x128xf32, #tpu.memory_space<hbm>>)
    %dma_wait3A_390 = arith.constant 1664 : i32
    %dma_wait3A_391 = tpu.memref_slice %arg8[%dma_wait3A_390] : memref<2048xi32, #tpu.memory_space<vmem>> -> memref<128xi32, #tpu.memory_space<vmem>>
    %dma_wait3A_392 = arith.constant 1664 : i32
    %dma_wait3A_393 = tpu.memref_slice %arg7[%dma_wait3A_392] : memref<2048xi32, #tpu.memory_space<vmem>> -> memref<128xi32, #tpu.memory_space<vmem>>
    %dma_wait3A_394 = arith.constant 0 : i32
    %dma_wait3A_395 = tpu.memref_slice %arg3[%dma_wait3A_394] : memref<16384xi32, #tpu.memory_space<hbm>> -> memref<16384xi32, #tpu.memory_space<hbm>>
    tpu.wait_indirect_dma semaphore(%arg26 : memref<!tpu.dma_semaphore, #tpu.memory_space<semaphore_mem>>) src(%dma_wait3A_395 : memref<16384xi32, #tpu.memory_space<hbm>>) dst(%dma_wait3A_391 : memref<128xi32, #tpu.memory_space<vmem>>)
    %dma_start3A_396 = arith.constant 1664 : i32
    %dma_start3A_397 = tpu.memref_slice %arg8[%dma_start3A_396] : memref<2048xi32, #tpu.memory_space<vmem>> -> memref<128xi32, #tpu.memory_space<vmem>>
    %dma_start3A_398 = arith.constant 0 : i32
    %dma_start3A_399 = arith.constant 0 : i32
    %dma_start3A_400 = tpu.memref_slice %arg2[%dma_start3A_398, %dma_start3A_399] : memref<100001x128xf32, #tpu.memory_space<hbm>> -> memref<100001x128xf32, #tpu.memory_space<hbm>>
    tpu.enqueue_indirect_dma source(%dma_start3A_400 : memref<100001x128xf32, #tpu.memory_space<hbm>>) target(%arg10 : memref<128x128xf32, #tpu.memory_space<vmem>>) offsets(%dma_start3A_397 : memref<128xi32, #tpu.memory_space<vmem>>) semaphore(%arg31 : memref<!tpu.dma_semaphore, #tpu.memory_space<semaphore_mem>>)
    %dma_wait3A_401 = arith.constant 1280 : i32
    %dma_wait3A_402 = tpu.memref_slice %arg8[%dma_wait3A_401] : memref<2048xi32, #tpu.memory_space<vmem>> -> memref<128xi32, #tpu.memory_space<vmem>>
    %dma_wait3A_403 = arith.constant 0 : i32
    %dma_wait3A_404 = arith.constant 0 : i32
    %dma_wait3A_405 = tpu.memref_slice %arg2[%dma_wait3A_403, %dma_wait3A_404] : memref<100001x128xf32, #tpu.memory_space<hbm>> -> memref<100001x128xf32, #tpu.memory_space<hbm>>
    tpu.wait_indirect_dma semaphore(%arg32 : memref<!tpu.dma_semaphore, #tpu.memory_space<semaphore_mem>>) src(%dma_wait3A_405 : memref<100001x128xf32, #tpu.memory_space<hbm>>) dst(%arg11 : memref<128x128xf32, #tpu.memory_space<vmem>>)
    %add3A_406 = arith.constant 1280 : i32
    %add3A_407 = arith.addi %mul3A_2, %add3A_406 : i32
    %dma_start3A_408 = arith.constant 0 : i32
    %dma_start3A_409 = tpu.memref_slice %arg5[%add3A_407, %dma_start3A_408] : memref<65536x128xf32, #tpu.memory_space<hbm>> -> memref<128x128xf32, #tpu.memory_space<hbm>>
    %dma_start3A_410 = arith.constant 0 : i32
    %dma_start3A_411 = tpu.memref_slice %arg5[%add3A_407, %dma_start3A_410] : memref<65536x128xf32, #tpu.memory_space<hbm>> -> memref<128x128xf32, #tpu.memory_space<hbm>>
    tpu.enqueue_dma source(%arg11 : memref<128x128xf32, #tpu.memory_space<vmem>>) target(%dma_start3A_411 : memref<128x128xf32, #tpu.memory_space<hbm>>) target_semaphore(%arg36 : memref<!tpu.dma_semaphore, #tpu.memory_space<semaphore_mem>>)
    %dma_wait3A_412 = arith.constant 0 : i32
    %dma_wait3A_413 = tpu.memref_slice %arg5[%add3A_407, %dma_wait3A_412] : memref<65536x128xf32, #tpu.memory_space<hbm>> -> memref<128x128xf32, #tpu.memory_space<hbm>>
    %dma_wait3A_414 = arith.constant 0 : i32
    %dma_wait3A_415 = tpu.memref_slice %arg5[%add3A_407, %dma_wait3A_414] : memref<65536x128xf32, #tpu.memory_space<hbm>> -> memref<128x128xf32, #tpu.memory_space<hbm>>
    tpu.wait_dma2 semaphore(%arg36 : memref<!tpu.dma_semaphore, #tpu.memory_space<semaphore_mem>>) src(%arg11 : memref<128x128xf32, #tpu.memory_space<vmem>>) dst(%dma_wait3A_415 : memref<128x128xf32, #tpu.memory_space<hbm>>)
    %dma_wait3A_416 = arith.constant 1792 : i32
    %dma_wait3A_417 = tpu.memref_slice %arg8[%dma_wait3A_416] : memref<2048xi32, #tpu.memory_space<vmem>> -> memref<128xi32, #tpu.memory_space<vmem>>
    %dma_wait3A_418 = arith.constant 1792 : i32
    %dma_wait3A_419 = tpu.memref_slice %arg7[%dma_wait3A_418] : memref<2048xi32, #tpu.memory_space<vmem>> -> memref<128xi32, #tpu.memory_space<vmem>>
    %dma_wait3A_420 = arith.constant 0 : i32
    %dma_wait3A_421 = tpu.memref_slice %arg3[%dma_wait3A_420] : memref<16384xi32, #tpu.memory_space<hbm>> -> memref<16384xi32, #tpu.memory_space<hbm>>
    tpu.wait_indirect_dma semaphore(%arg27 : memref<!tpu.dma_semaphore, #tpu.memory_space<semaphore_mem>>) src(%dma_wait3A_421 : memref<16384xi32, #tpu.memory_space<hbm>>) dst(%dma_wait3A_417 : memref<128xi32, #tpu.memory_space<vmem>>)
    %dma_start3A_422 = arith.constant 1792 : i32
    %dma_start3A_423 = tpu.memref_slice %arg8[%dma_start3A_422] : memref<2048xi32, #tpu.memory_space<vmem>> -> memref<128xi32, #tpu.memory_space<vmem>>
    %dma_start3A_424 = arith.constant 0 : i32
    %dma_start3A_425 = arith.constant 0 : i32
    %dma_start3A_426 = tpu.memref_slice %arg2[%dma_start3A_424, %dma_start3A_425] : memref<100001x128xf32, #tpu.memory_space<hbm>> -> memref<100001x128xf32, #tpu.memory_space<hbm>>
    tpu.enqueue_indirect_dma source(%dma_start3A_426 : memref<100001x128xf32, #tpu.memory_space<hbm>>) target(%arg11 : memref<128x128xf32, #tpu.memory_space<vmem>>) offsets(%dma_start3A_423 : memref<128xi32, #tpu.memory_space<vmem>>) semaphore(%arg32 : memref<!tpu.dma_semaphore, #tpu.memory_space<semaphore_mem>>)
    %dma_wait3A_427 = arith.constant 1408 : i32
    %dma_wait3A_428 = tpu.memref_slice %arg8[%dma_wait3A_427] : memref<2048xi32, #tpu.memory_space<vmem>> -> memref<128xi32, #tpu.memory_space<vmem>>
    %dma_wait3A_429 = arith.constant 0 : i32
    %dma_wait3A_430 = arith.constant 0 : i32
    %dma_wait3A_431 = tpu.memref_slice %arg2[%dma_wait3A_429, %dma_wait3A_430] : memref<100001x128xf32, #tpu.memory_space<hbm>> -> memref<100001x128xf32, #tpu.memory_space<hbm>>
    tpu.wait_indirect_dma semaphore(%arg33 : memref<!tpu.dma_semaphore, #tpu.memory_space<semaphore_mem>>) src(%dma_wait3A_431 : memref<100001x128xf32, #tpu.memory_space<hbm>>) dst(%arg12 : memref<128x128xf32, #tpu.memory_space<vmem>>)
    %add3A_432 = arith.constant 1408 : i32
    %add3A_433 = arith.addi %mul3A_2, %add3A_432 : i32
    %dma_start3A_434 = arith.constant 0 : i32
    %dma_start3A_435 = tpu.memref_slice %arg5[%add3A_433, %dma_start3A_434] : memref<65536x128xf32, #tpu.memory_space<hbm>> -> memref<128x128xf32, #tpu.memory_space<hbm>>
    %dma_start3A_436 = arith.constant 0 : i32
    %dma_start3A_437 = tpu.memref_slice %arg5[%add3A_433, %dma_start3A_436] : memref<65536x128xf32, #tpu.memory_space<hbm>> -> memref<128x128xf32, #tpu.memory_space<hbm>>
    tpu.enqueue_dma source(%arg12 : memref<128x128xf32, #tpu.memory_space<vmem>>) target(%dma_start3A_437 : memref<128x128xf32, #tpu.memory_space<hbm>>) target_semaphore(%arg37 : memref<!tpu.dma_semaphore, #tpu.memory_space<semaphore_mem>>)
    %dma_wait3A_438 = arith.constant 0 : i32
    %dma_wait3A_439 = tpu.memref_slice %arg5[%add3A_433, %dma_wait3A_438] : memref<65536x128xf32, #tpu.memory_space<hbm>> -> memref<128x128xf32, #tpu.memory_space<hbm>>
    %dma_wait3A_440 = arith.constant 0 : i32
    %dma_wait3A_441 = tpu.memref_slice %arg5[%add3A_433, %dma_wait3A_440] : memref<65536x128xf32, #tpu.memory_space<hbm>> -> memref<128x128xf32, #tpu.memory_space<hbm>>
    tpu.wait_dma2 semaphore(%arg37 : memref<!tpu.dma_semaphore, #tpu.memory_space<semaphore_mem>>) src(%arg12 : memref<128x128xf32, #tpu.memory_space<vmem>>) dst(%dma_wait3A_441 : memref<128x128xf32, #tpu.memory_space<hbm>>)
    %dma_wait3A_442 = arith.constant 1920 : i32
    %dma_wait3A_443 = tpu.memref_slice %arg8[%dma_wait3A_442] : memref<2048xi32, #tpu.memory_space<vmem>> -> memref<128xi32, #tpu.memory_space<vmem>>
    %dma_wait3A_444 = arith.constant 1920 : i32
    %dma_wait3A_445 = tpu.memref_slice %arg7[%dma_wait3A_444] : memref<2048xi32, #tpu.memory_space<vmem>> -> memref<128xi32, #tpu.memory_space<vmem>>
    %dma_wait3A_446 = arith.constant 0 : i32
    %dma_wait3A_447 = tpu.memref_slice %arg3[%dma_wait3A_446] : memref<16384xi32, #tpu.memory_space<hbm>> -> memref<16384xi32, #tpu.memory_space<hbm>>
    tpu.wait_indirect_dma semaphore(%arg28 : memref<!tpu.dma_semaphore, #tpu.memory_space<semaphore_mem>>) src(%dma_wait3A_447 : memref<16384xi32, #tpu.memory_space<hbm>>) dst(%dma_wait3A_443 : memref<128xi32, #tpu.memory_space<vmem>>)
    %dma_start3A_448 = arith.constant 1920 : i32
    %dma_start3A_449 = tpu.memref_slice %arg8[%dma_start3A_448] : memref<2048xi32, #tpu.memory_space<vmem>> -> memref<128xi32, #tpu.memory_space<vmem>>
    %dma_start3A_450 = arith.constant 0 : i32
    %dma_start3A_451 = arith.constant 0 : i32
    %dma_start3A_452 = tpu.memref_slice %arg2[%dma_start3A_450, %dma_start3A_451] : memref<100001x128xf32, #tpu.memory_space<hbm>> -> memref<100001x128xf32, #tpu.memory_space<hbm>>
    tpu.enqueue_indirect_dma source(%dma_start3A_452 : memref<100001x128xf32, #tpu.memory_space<hbm>>) target(%arg12 : memref<128x128xf32, #tpu.memory_space<vmem>>) offsets(%dma_start3A_449 : memref<128xi32, #tpu.memory_space<vmem>>) semaphore(%arg33 : memref<!tpu.dma_semaphore, #tpu.memory_space<semaphore_mem>>)
    %dma_wait3A_453 = arith.constant 1536 : i32
    %dma_wait3A_454 = tpu.memref_slice %arg8[%dma_wait3A_453] : memref<2048xi32, #tpu.memory_space<vmem>> -> memref<128xi32, #tpu.memory_space<vmem>>
    %dma_wait3A_455 = arith.constant 0 : i32
    %dma_wait3A_456 = arith.constant 0 : i32
    %dma_wait3A_457 = tpu.memref_slice %arg2[%dma_wait3A_455, %dma_wait3A_456] : memref<100001x128xf32, #tpu.memory_space<hbm>> -> memref<100001x128xf32, #tpu.memory_space<hbm>>
    tpu.wait_indirect_dma semaphore(%arg30 : memref<!tpu.dma_semaphore, #tpu.memory_space<semaphore_mem>>) src(%dma_wait3A_457 : memref<100001x128xf32, #tpu.memory_space<hbm>>) dst(%arg9 : memref<128x128xf32, #tpu.memory_space<vmem>>)
    %add3A_458 = arith.constant 1536 : i32
    %add3A_459 = arith.addi %mul3A_2, %add3A_458 : i32
    %dma_start3A_460 = arith.constant 0 : i32
    %dma_start3A_461 = tpu.memref_slice %arg5[%add3A_459, %dma_start3A_460] : memref<65536x128xf32, #tpu.memory_space<hbm>> -> memref<128x128xf32, #tpu.memory_space<hbm>>
    %dma_start3A_462 = arith.constant 0 : i32
    %dma_start3A_463 = tpu.memref_slice %arg5[%add3A_459, %dma_start3A_462] : memref<65536x128xf32, #tpu.memory_space<hbm>> -> memref<128x128xf32, #tpu.memory_space<hbm>>
    tpu.enqueue_dma source(%arg9 : memref<128x128xf32, #tpu.memory_space<vmem>>) target(%dma_start3A_463 : memref<128x128xf32, #tpu.memory_space<hbm>>) target_semaphore(%arg34 : memref<!tpu.dma_semaphore, #tpu.memory_space<semaphore_mem>>)
    %dma_wait3A_464 = arith.constant 1664 : i32
    %dma_wait3A_465 = tpu.memref_slice %arg8[%dma_wait3A_464] : memref<2048xi32, #tpu.memory_space<vmem>> -> memref<128xi32, #tpu.memory_space<vmem>>
    %dma_wait3A_466 = arith.constant 0 : i32
    %dma_wait3A_467 = arith.constant 0 : i32
    %dma_wait3A_468 = tpu.memref_slice %arg2[%dma_wait3A_466, %dma_wait3A_467] : memref<100001x128xf32, #tpu.memory_space<hbm>> -> memref<100001x128xf32, #tpu.memory_space<hbm>>
    tpu.wait_indirect_dma semaphore(%arg31 : memref<!tpu.dma_semaphore, #tpu.memory_space<semaphore_mem>>) src(%dma_wait3A_468 : memref<100001x128xf32, #tpu.memory_space<hbm>>) dst(%arg10 : memref<128x128xf32, #tpu.memory_space<vmem>>)
    %add3A_469 = arith.constant 1664 : i32
    %add3A_470 = arith.addi %mul3A_2, %add3A_469 : i32
    %dma_start3A_471 = arith.constant 0 : i32
    %dma_start3A_472 = tpu.memref_slice %arg5[%add3A_470, %dma_start3A_471] : memref<65536x128xf32, #tpu.memory_space<hbm>> -> memref<128x128xf32, #tpu.memory_space<hbm>>
    %dma_start3A_473 = arith.constant 0 : i32
    %dma_start3A_474 = tpu.memref_slice %arg5[%add3A_470, %dma_start3A_473] : memref<65536x128xf32, #tpu.memory_space<hbm>> -> memref<128x128xf32, #tpu.memory_space<hbm>>
    tpu.enqueue_dma source(%arg10 : memref<128x128xf32, #tpu.memory_space<vmem>>) target(%dma_start3A_474 : memref<128x128xf32, #tpu.memory_space<hbm>>) target_semaphore(%arg35 : memref<!tpu.dma_semaphore, #tpu.memory_space<semaphore_mem>>)
    %dma_wait3A_475 = arith.constant 1792 : i32
    %dma_wait3A_476 = tpu.memref_slice %arg8[%dma_wait3A_475] : memref<2048xi32, #tpu.memory_space<vmem>> -> memref<128xi32, #tpu.memory_space<vmem>>
    %dma_wait3A_477 = arith.constant 0 : i32
    %dma_wait3A_478 = arith.constant 0 : i32
    %dma_wait3A_479 = tpu.memref_slice %arg2[%dma_wait3A_477, %dma_wait3A_478] : memref<100001x128xf32, #tpu.memory_space<hbm>> -> memref<100001x128xf32, #tpu.memory_space<hbm>>
    tpu.wait_indirect_dma semaphore(%arg32 : memref<!tpu.dma_semaphore, #tpu.memory_space<semaphore_mem>>) src(%dma_wait3A_479 : memref<100001x128xf32, #tpu.memory_space<hbm>>) dst(%arg11 : memref<128x128xf32, #tpu.memory_space<vmem>>)
    %add3A_480 = arith.constant 1792 : i32
    %add3A_481 = arith.addi %mul3A_2, %add3A_480 : i32
    %dma_start3A_482 = arith.constant 0 : i32
    %dma_start3A_483 = tpu.memref_slice %arg5[%add3A_481, %dma_start3A_482] : memref<65536x128xf32, #tpu.memory_space<hbm>> -> memref<128x128xf32, #tpu.memory_space<hbm>>
    %dma_start3A_484 = arith.constant 0 : i32
    %dma_start3A_485 = tpu.memref_slice %arg5[%add3A_481, %dma_start3A_484] : memref<65536x128xf32, #tpu.memory_space<hbm>> -> memref<128x128xf32, #tpu.memory_space<hbm>>
    tpu.enqueue_dma source(%arg11 : memref<128x128xf32, #tpu.memory_space<vmem>>) target(%dma_start3A_485 : memref<128x128xf32, #tpu.memory_space<hbm>>) target_semaphore(%arg36 : memref<!tpu.dma_semaphore, #tpu.memory_space<semaphore_mem>>)
    %dma_wait3A_486 = arith.constant 1920 : i32
    %dma_wait3A_487 = tpu.memref_slice %arg8[%dma_wait3A_486] : memref<2048xi32, #tpu.memory_space<vmem>> -> memref<128xi32, #tpu.memory_space<vmem>>
    %dma_wait3A_488 = arith.constant 0 : i32
    %dma_wait3A_489 = arith.constant 0 : i32
    %dma_wait3A_490 = tpu.memref_slice %arg2[%dma_wait3A_488, %dma_wait3A_489] : memref<100001x128xf32, #tpu.memory_space<hbm>> -> memref<100001x128xf32, #tpu.memory_space<hbm>>
    tpu.wait_indirect_dma semaphore(%arg33 : memref<!tpu.dma_semaphore, #tpu.memory_space<semaphore_mem>>) src(%dma_wait3A_490 : memref<100001x128xf32, #tpu.memory_space<hbm>>) dst(%arg12 : memref<128x128xf32, #tpu.memory_space<vmem>>)
    %add3A_491 = arith.constant 1920 : i32
    %add3A_492 = arith.addi %mul3A_2, %add3A_491 : i32
    %dma_start3A_493 = arith.constant 0 : i32
    %dma_start3A_494 = tpu.memref_slice %arg5[%add3A_492, %dma_start3A_493] : memref<65536x128xf32, #tpu.memory_space<hbm>> -> memref<128x128xf32, #tpu.memory_space<hbm>>
    %dma_start3A_495 = arith.constant 0 : i32
    %dma_start3A_496 = tpu.memref_slice %arg5[%add3A_492, %dma_start3A_495] : memref<65536x128xf32, #tpu.memory_space<hbm>> -> memref<128x128xf32, #tpu.memory_space<hbm>>
    tpu.enqueue_dma source(%arg12 : memref<128x128xf32, #tpu.memory_space<vmem>>) target(%dma_start3A_496 : memref<128x128xf32, #tpu.memory_space<hbm>>) target_semaphore(%arg37 : memref<!tpu.dma_semaphore, #tpu.memory_space<semaphore_mem>>)
    %dma_start3A_497 = tpu.memref_slice %arg6[%mul3A_2] : memref<65536xi32, #tpu.memory_space<hbm>> -> memref<2048xi32, #tpu.memory_space<hbm>>
    %dma_start3A_498 = tpu.memref_slice %arg6[%mul3A_2] : memref<65536xi32, #tpu.memory_space<hbm>> -> memref<2048xi32, #tpu.memory_space<hbm>>
    tpu.enqueue_dma source(%arg8 : memref<2048xi32, #tpu.memory_space<vmem>>) target(%dma_start3A_498 : memref<2048xi32, #tpu.memory_space<hbm>>) target_semaphore(%arg29 : memref<!tpu.dma_semaphore, #tpu.memory_space<semaphore_mem>>)
    %dma_wait3A_499 = arith.constant 0 : i32
    %dma_wait3A_500 = tpu.memref_slice %arg5[%add3A_459, %dma_wait3A_499] : memref<65536x128xf32, #tpu.memory_space<hbm>> -> memref<128x128xf32, #tpu.memory_space<hbm>>
    %dma_wait3A_501 = arith.constant 0 : i32
    %dma_wait3A_502 = tpu.memref_slice %arg5[%add3A_459, %dma_wait3A_501] : memref<65536x128xf32, #tpu.memory_space<hbm>> -> memref<128x128xf32, #tpu.memory_space<hbm>>
    tpu.wait_dma2 semaphore(%arg34 : memref<!tpu.dma_semaphore, #tpu.memory_space<semaphore_mem>>) src(%arg9 : memref<128x128xf32, #tpu.memory_space<vmem>>) dst(%dma_wait3A_502 : memref<128x128xf32, #tpu.memory_space<hbm>>)
    %dma_wait3A_503 = arith.constant 0 : i32
    %dma_wait3A_504 = tpu.memref_slice %arg5[%add3A_470, %dma_wait3A_503] : memref<65536x128xf32, #tpu.memory_space<hbm>> -> memref<128x128xf32, #tpu.memory_space<hbm>>
    %dma_wait3A_505 = arith.constant 0 : i32
    %dma_wait3A_506 = tpu.memref_slice %arg5[%add3A_470, %dma_wait3A_505] : memref<65536x128xf32, #tpu.memory_space<hbm>> -> memref<128x128xf32, #tpu.memory_space<hbm>>
    tpu.wait_dma2 semaphore(%arg35 : memref<!tpu.dma_semaphore, #tpu.memory_space<semaphore_mem>>) src(%arg10 : memref<128x128xf32, #tpu.memory_space<vmem>>) dst(%dma_wait3A_506 : memref<128x128xf32, #tpu.memory_space<hbm>>)
    %dma_wait3A_507 = arith.constant 0 : i32
    %dma_wait3A_508 = tpu.memref_slice %arg5[%add3A_481, %dma_wait3A_507] : memref<65536x128xf32, #tpu.memory_space<hbm>> -> memref<128x128xf32, #tpu.memory_space<hbm>>
    %dma_wait3A_509 = arith.constant 0 : i32
    %dma_wait3A_510 = tpu.memref_slice %arg5[%add3A_481, %dma_wait3A_509] : memref<65536x128xf32, #tpu.memory_space<hbm>> -> memref<128x128xf32, #tpu.memory_space<hbm>>
    tpu.wait_dma2 semaphore(%arg36 : memref<!tpu.dma_semaphore, #tpu.memory_space<semaphore_mem>>) src(%arg11 : memref<128x128xf32, #tpu.memory_space<vmem>>) dst(%dma_wait3A_510 : memref<128x128xf32, #tpu.memory_space<hbm>>)
    %dma_wait3A_511 = arith.constant 0 : i32
    %dma_wait3A_512 = tpu.memref_slice %arg5[%add3A_492, %dma_wait3A_511] : memref<65536x128xf32, #tpu.memory_space<hbm>> -> memref<128x128xf32, #tpu.memory_space<hbm>>
    %dma_wait3A_513 = arith.constant 0 : i32
    %dma_wait3A_514 = tpu.memref_slice %arg5[%add3A_492, %dma_wait3A_513] : memref<65536x128xf32, #tpu.memory_space<hbm>> -> memref<128x128xf32, #tpu.memory_space<hbm>>
    tpu.wait_dma2 semaphore(%arg37 : memref<!tpu.dma_semaphore, #tpu.memory_space<semaphore_mem>>) src(%arg12 : memref<128x128xf32, #tpu.memory_space<vmem>>) dst(%dma_wait3A_514 : memref<128x128xf32, #tpu.memory_space<hbm>>)
    %dma_wait3A_515 = tpu.memref_slice %arg6[%mul3A_2] : memref<65536xi32, #tpu.memory_space<hbm>> -> memref<2048xi32, #tpu.memory_space<hbm>>
    %dma_wait3A_516 = tpu.memref_slice %arg6[%mul3A_2] : memref<65536xi32, #tpu.memory_space<hbm>> -> memref<2048xi32, #tpu.memory_space<hbm>>
    tpu.wait_dma2 semaphore(%arg29 : memref<!tpu.dma_semaphore, #tpu.memory_space<semaphore_mem>>) src(%arg8 : memref<2048xi32, #tpu.memory_space<vmem>>) dst(%dma_wait3A_516 : memref<2048xi32, #tpu.memory_space<hbm>>)
    return
  }
}

module attributes {stable_mosaic.version = 14 : i64} {
  func.func @_tc_units(%arg0: i32, %arg1: memref<8x4096xf32, #tpu.memory_space<vmem>>, %arg2: memref<6x8x4096xf32, #tpu.memory_space<vmem>>, %arg3: memref<6x8x4096xf32, #tpu.memory_space<vmem>>) attributes {dimension_semantics = [#tpu.dimension_semantics<arbitrary>], iteration_bounds = array<i64: 4>, scalar_prefetch = 0 : i64, scratch_operands = 0 : i64, tpu.core_type = #tpu.core_type<tc>, window_params = [{transform_indices = @transform_0, window_bounds = array<i64: 8, 4096>}, {transform_indices = @transform_1, window_bounds = array<i64: 6, 8, 4096>}, {transform_indices = @transform_2, window_bounds = array<i64: 6, 8, 4096>}]} {
    %get3A = arith.constant 0 : index
    %get3A_0 = arith.constant 0 : index
    %get3A_1 = vector.load %arg1[%get3A, %get3A_0] : memref<8x4096xf32, #tpu.memory_space<vmem>>, vector<8x4096xf32>
    %get3A_2 = arith.constant 0 : index
    %get3A_3 = arith.constant 0 : index
    %get3A_4 = arith.constant 0 : index
    %get3A_5 = vector.load %arg2[%get3A_2, %get3A_3, %get3A_4] : memref<6x8x4096xf32, #tpu.memory_space<vmem>>, vector<1x8x4096xf32>
    %get3A_6 = vector.shape_cast %get3A_5 : vector<1x8x4096xf32> to vector<8x4096xf32>
    %mul3A = arith.constant 2.000000e-01 : f32
    %mul3A_7 = vector.broadcast %mul3A : f32 to vector<8x4096xf32>
    %mul3A_8 = arith.mulf %mul3A_7, %get3A_6 : vector<8x4096xf32>
    %add3A = arith.addf %get3A_1, %mul3A_8 : vector<8x4096xf32>
    %mul3A_9 = arith.mulf %add3A, %add3A : vector<8x4096xf32>
    %reduce_sum3A = arith.constant dense<0.000000e+00> : vector<4096xf32>
    %reduce_sum3A_10 = vector.multi_reduction <add>, %mul3A_9, %reduce_sum3A [0] : vector<8x4096xf32> to vector<4096xf32>
    %broadcast_in_dim3A = vector.shape_cast %reduce_sum3A_10 : vector<4096xf32> to vector<1x4096xf32>
    %sqrt3A = math.sqrt %broadcast_in_dim3A : vector<1x4096xf32>
    %max3A = arith.constant 9.99999996E-13 : f32
    %max3A_11 = vector.broadcast %max3A : f32 to vector<1x4096xf32>
    %max3A_12 = arith.maximumf %sqrt3A, %max3A_11 : vector<1x4096xf32>
    %div3A = arith.constant 1.000000e+00 : f32
    %div3A_13 = vector.broadcast %div3A : f32 to vector<1x4096xf32>
    %div3A_14 = arith.divf %div3A_13, %max3A_12 : vector<1x4096xf32>
    %mul3A_15 = vector.broadcast %div3A_14 : vector<1x4096xf32> to vector<8x4096xf32>
    %mul3A_16 = arith.mulf %add3A, %mul3A_15 : vector<8x4096xf32>
    %swap3A = arith.constant 0 : index
    %swap3A_17 = arith.constant 0 : index
    %swap3A_18 = arith.constant 0 : index
    %swap3A_19 = vector.load %arg3[%swap3A, %swap3A_17, %swap3A_18] : memref<6x8x4096xf32, #tpu.memory_space<vmem>>, vector<1x8x4096xf32>
    %swap3A_20 = vector.shape_cast %swap3A_19 : vector<1x8x4096xf32> to vector<8x4096xf32>
    %swap3A_21 = vector.shape_cast %mul3A_16 : vector<8x4096xf32> to vector<1x8x4096xf32>
    tpu.vector_store %arg3[%swap3A, %swap3A_17, %swap3A_18], %swap3A_21 {strides = array<i32>} : memref<6x8x4096xf32, #tpu.memory_space<vmem>>, vector<1x8x4096xf32>,
    %get3A_22 = arith.constant 1 : index
    %get3A_23 = arith.constant 0 : index
    %get3A_24 = arith.constant 0 : index
    %get3A_25 = vector.load %arg2[%get3A_22, %get3A_23, %get3A_24] : memref<6x8x4096xf32, #tpu.memory_space<vmem>>, vector<1x8x4096xf32>
    %get3A_26 = vector.shape_cast %get3A_25 : vector<1x8x4096xf32> to vector<8x4096xf32>
    %mul3A_27 = arith.constant 8.000000e-01 : f32
    %mul3A_28 = vector.broadcast %mul3A_27 : f32 to vector<8x4096xf32>
    %mul3A_29 = arith.mulf %mul3A_28, %get3A_26 : vector<8x4096xf32>
    %add3A_30 = arith.addf %get3A_1, %mul3A_29 : vector<8x4096xf32>
    %mul3A_31 = arith.mulf %add3A_30, %add3A_30 : vector<8x4096xf32>
    %reduce_sum3A_32 = arith.constant dense<0.000000e+00> : vector<4096xf32>
    %reduce_sum3A_33 = vector.multi_reduction <add>, %mul3A_31, %reduce_sum3A_32 [0] : vector<8x4096xf32> to vector<4096xf32>
    %broadcast_in_dim3A_34 = vector.shape_cast %reduce_sum3A_33 : vector<4096xf32> to vector<1x4096xf32>
    %sqrt3A_35 = math.sqrt %broadcast_in_dim3A_34 : vector<1x4096xf32>
    %max3A_36 = arith.constant 9.99999996E-13 : f32
    %max3A_37 = vector.broadcast %max3A_36 : f32 to vector<1x4096xf32>
    %max3A_38 = arith.maximumf %sqrt3A_35, %max3A_37 : vector<1x4096xf32>
    %div3A_39 = arith.constant 1.000000e+00 : f32
    %div3A_40 = vector.broadcast %div3A_39 : f32 to vector<1x4096xf32>
    %div3A_41 = arith.divf %div3A_40, %max3A_38 : vector<1x4096xf32>
    %mul3A_42 = vector.broadcast %div3A_41 : vector<1x4096xf32> to vector<8x4096xf32>
    %mul3A_43 = arith.mulf %add3A_30, %mul3A_42 : vector<8x4096xf32>
    %swap3A_44 = arith.constant 1 : index
    %swap3A_45 = arith.constant 0 : index
    %swap3A_46 = arith.constant 0 : index
    %swap3A_47 = vector.load %arg3[%swap3A_44, %swap3A_45, %swap3A_46] : memref<6x8x4096xf32, #tpu.memory_space<vmem>>, vector<1x8x4096xf32>
    %swap3A_48 = vector.shape_cast %swap3A_47 : vector<1x8x4096xf32> to vector<8x4096xf32>
    %swap3A_49 = vector.shape_cast %mul3A_43 : vector<8x4096xf32> to vector<1x8x4096xf32>
    tpu.vector_store %arg3[%swap3A_44, %swap3A_45, %swap3A_46], %swap3A_49 {strides = array<i32>} : memref<6x8x4096xf32, #tpu.memory_space<vmem>>, vector<1x8x4096xf32>,
    %get3A_50 = arith.constant 2 : index
    %get3A_51 = arith.constant 0 : index
    %get3A_52 = arith.constant 0 : index
    %get3A_53 = vector.load %arg2[%get3A_50, %get3A_51, %get3A_52] : memref<6x8x4096xf32, #tpu.memory_space<vmem>>, vector<1x8x4096xf32>
    %get3A_54 = vector.shape_cast %get3A_53 : vector<1x8x4096xf32> to vector<8x4096xf32>
    %mul3A_55 = arith.constant 2.000000e-01 : f32
    %mul3A_56 = vector.broadcast %mul3A_55 : f32 to vector<8x4096xf32>
    %mul3A_57 = arith.mulf %mul3A_56, %get3A_54 : vector<8x4096xf32>
    %add3A_58 = arith.addf %get3A_1, %mul3A_57 : vector<8x4096xf32>
    %mul3A_59 = arith.mulf %add3A_58, %add3A_58 : vector<8x4096xf32>
    %reduce_sum3A_60 = arith.constant dense<0.000000e+00> : vector<4096xf32>
    %reduce_sum3A_61 = vector.multi_reduction <add>, %mul3A_59, %reduce_sum3A_60 [0] : vector<8x4096xf32> to vector<4096xf32>
    %broadcast_in_dim3A_62 = vector.shape_cast %reduce_sum3A_61 : vector<4096xf32> to vector<1x4096xf32>
    %sqrt3A_63 = math.sqrt %broadcast_in_dim3A_62 : vector<1x4096xf32>
    %max3A_64 = arith.constant 9.99999996E-13 : f32
    %max3A_65 = vector.broadcast %max3A_64 : f32 to vector<1x4096xf32>
    %max3A_66 = arith.maximumf %sqrt3A_63, %max3A_65 : vector<1x4096xf32>
    %div3A_67 = arith.constant 1.000000e+00 : f32
    %div3A_68 = vector.broadcast %div3A_67 : f32 to vector<1x4096xf32>
    %div3A_69 = arith.divf %div3A_68, %max3A_66 : vector<1x4096xf32>
    %mul3A_70 = vector.broadcast %div3A_69 : vector<1x4096xf32> to vector<8x4096xf32>
    %mul3A_71 = arith.mulf %add3A_58, %mul3A_70 : vector<8x4096xf32>
    %swap3A_72 = arith.constant 2 : index
    %swap3A_73 = arith.constant 0 : index
    %swap3A_74 = arith.constant 0 : index
    %swap3A_75 = vector.load %arg3[%swap3A_72, %swap3A_73, %swap3A_74] : memref<6x8x4096xf32, #tpu.memory_space<vmem>>, vector<1x8x4096xf32>
    %swap3A_76 = vector.shape_cast %swap3A_75 : vector<1x8x4096xf32> to vector<8x4096xf32>
    %swap3A_77 = vector.shape_cast %mul3A_71 : vector<8x4096xf32> to vector<1x8x4096xf32>
    tpu.vector_store %arg3[%swap3A_72, %swap3A_73, %swap3A_74], %swap3A_77 {strides = array<i32>} : memref<6x8x4096xf32, #tpu.memory_space<vmem>>, vector<1x8x4096xf32>,
    %get3A_78 = arith.constant 3 : index
    %get3A_79 = arith.constant 0 : index
    %get3A_80 = arith.constant 0 : index
    %get3A_81 = vector.load %arg2[%get3A_78, %get3A_79, %get3A_80] : memref<6x8x4096xf32, #tpu.memory_space<vmem>>, vector<1x8x4096xf32>
    %get3A_82 = vector.shape_cast %get3A_81 : vector<1x8x4096xf32> to vector<8x4096xf32>
    %mul3A_83 = arith.constant 8.000000e-01 : f32
    %mul3A_84 = vector.broadcast %mul3A_83 : f32 to vector<8x4096xf32>
    %mul3A_85 = arith.mulf %mul3A_84, %get3A_82 : vector<8x4096xf32>
    %add3A_86 = arith.addf %get3A_1, %mul3A_85 : vector<8x4096xf32>
    %mul3A_87 = arith.mulf %add3A_86, %add3A_86 : vector<8x4096xf32>
    %reduce_sum3A_88 = arith.constant dense<0.000000e+00> : vector<4096xf32>
    %reduce_sum3A_89 = vector.multi_reduction <add>, %mul3A_87, %reduce_sum3A_88 [0] : vector<8x4096xf32> to vector<4096xf32>
    %broadcast_in_dim3A_90 = vector.shape_cast %reduce_sum3A_89 : vector<4096xf32> to vector<1x4096xf32>
    %sqrt3A_91 = math.sqrt %broadcast_in_dim3A_90 : vector<1x4096xf32>
    %max3A_92 = arith.constant 9.99999996E-13 : f32
    %max3A_93 = vector.broadcast %max3A_92 : f32 to vector<1x4096xf32>
    %max3A_94 = arith.maximumf %sqrt3A_91, %max3A_93 : vector<1x4096xf32>
    %div3A_95 = arith.constant 1.000000e+00 : f32
    %div3A_96 = vector.broadcast %div3A_95 : f32 to vector<1x4096xf32>
    %div3A_97 = arith.divf %div3A_96, %max3A_94 : vector<1x4096xf32>
    %mul3A_98 = vector.broadcast %div3A_97 : vector<1x4096xf32> to vector<8x4096xf32>
    %mul3A_99 = arith.mulf %add3A_86, %mul3A_98 : vector<8x4096xf32>
    %swap3A_100 = arith.constant 3 : index
    %swap3A_101 = arith.constant 0 : index
    %swap3A_102 = arith.constant 0 : index
    %swap3A_103 = vector.load %arg3[%swap3A_100, %swap3A_101, %swap3A_102] : memref<6x8x4096xf32, #tpu.memory_space<vmem>>, vector<1x8x4096xf32>
    %swap3A_104 = vector.shape_cast %swap3A_103 : vector<1x8x4096xf32> to vector<8x4096xf32>
    %swap3A_105 = vector.shape_cast %mul3A_99 : vector<8x4096xf32> to vector<1x8x4096xf32>
    tpu.vector_store %arg3[%swap3A_100, %swap3A_101, %swap3A_102], %swap3A_105 {strides = array<i32>} : memref<6x8x4096xf32, #tpu.memory_space<vmem>>, vector<1x8x4096xf32>,
    %get3A_106 = arith.constant 4 : index
    %get3A_107 = arith.constant 0 : index
    %get3A_108 = arith.constant 0 : index
    %get3A_109 = vector.load %arg2[%get3A_106, %get3A_107, %get3A_108] : memref<6x8x4096xf32, #tpu.memory_space<vmem>>, vector<1x8x4096xf32>
    %get3A_110 = vector.shape_cast %get3A_109 : vector<1x8x4096xf32> to vector<8x4096xf32>
    %mul3A_111 = arith.constant 2.000000e-01 : f32
    %mul3A_112 = vector.broadcast %mul3A_111 : f32 to vector<8x4096xf32>
    %mul3A_113 = arith.mulf %mul3A_112, %get3A_110 : vector<8x4096xf32>
    %add3A_114 = arith.addf %get3A_1, %mul3A_113 : vector<8x4096xf32>
    %mul3A_115 = arith.mulf %add3A_114, %add3A_114 : vector<8x4096xf32>
    %reduce_sum3A_116 = arith.constant dense<0.000000e+00> : vector<4096xf32>
    %reduce_sum3A_117 = vector.multi_reduction <add>, %mul3A_115, %reduce_sum3A_116 [0] : vector<8x4096xf32> to vector<4096xf32>
    %broadcast_in_dim3A_118 = vector.shape_cast %reduce_sum3A_117 : vector<4096xf32> to vector<1x4096xf32>
    %sqrt3A_119 = math.sqrt %broadcast_in_dim3A_118 : vector<1x4096xf32>
    %max3A_120 = arith.constant 9.99999996E-13 : f32
    %max3A_121 = vector.broadcast %max3A_120 : f32 to vector<1x4096xf32>
    %max3A_122 = arith.maximumf %sqrt3A_119, %max3A_121 : vector<1x4096xf32>
    %div3A_123 = arith.constant 1.000000e+00 : f32
    %div3A_124 = vector.broadcast %div3A_123 : f32 to vector<1x4096xf32>
    %div3A_125 = arith.divf %div3A_124, %max3A_122 : vector<1x4096xf32>
    %mul3A_126 = vector.broadcast %div3A_125 : vector<1x4096xf32> to vector<8x4096xf32>
    %mul3A_127 = arith.mulf %add3A_114, %mul3A_126 : vector<8x4096xf32>
    %swap3A_128 = arith.constant 4 : index
    %swap3A_129 = arith.constant 0 : index
    %swap3A_130 = arith.constant 0 : index
    %swap3A_131 = vector.load %arg3[%swap3A_128, %swap3A_129, %swap3A_130] : memref<6x8x4096xf32, #tpu.memory_space<vmem>>, vector<1x8x4096xf32>
    %swap3A_132 = vector.shape_cast %swap3A_131 : vector<1x8x4096xf32> to vector<8x4096xf32>
    %swap3A_133 = vector.shape_cast %mul3A_127 : vector<8x4096xf32> to vector<1x8x4096xf32>
    tpu.vector_store %arg3[%swap3A_128, %swap3A_129, %swap3A_130], %swap3A_133 {strides = array<i32>} : memref<6x8x4096xf32, #tpu.memory_space<vmem>>, vector<1x8x4096xf32>,
    %get3A_134 = arith.constant 5 : index
    %get3A_135 = arith.constant 0 : index
    %get3A_136 = arith.constant 0 : index
    %get3A_137 = vector.load %arg2[%get3A_134, %get3A_135, %get3A_136] : memref<6x8x4096xf32, #tpu.memory_space<vmem>>, vector<1x8x4096xf32>
    %get3A_138 = vector.shape_cast %get3A_137 : vector<1x8x4096xf32> to vector<8x4096xf32>
    %mul3A_139 = arith.constant 8.000000e-01 : f32
    %mul3A_140 = vector.broadcast %mul3A_139 : f32 to vector<8x4096xf32>
    %mul3A_141 = arith.mulf %mul3A_140, %get3A_138 : vector<8x4096xf32>
    %add3A_142 = arith.addf %get3A_1, %mul3A_141 : vector<8x4096xf32>
    %mul3A_143 = arith.mulf %add3A_142, %add3A_142 : vector<8x4096xf32>
    %reduce_sum3A_144 = arith.constant dense<0.000000e+00> : vector<4096xf32>
    %reduce_sum3A_145 = vector.multi_reduction <add>, %mul3A_143, %reduce_sum3A_144 [0] : vector<8x4096xf32> to vector<4096xf32>
    %broadcast_in_dim3A_146 = vector.shape_cast %reduce_sum3A_145 : vector<4096xf32> to vector<1x4096xf32>
    %sqrt3A_147 = math.sqrt %broadcast_in_dim3A_146 : vector<1x4096xf32>
    %max3A_148 = arith.constant 9.99999996E-13 : f32
    %max3A_149 = vector.broadcast %max3A_148 : f32 to vector<1x4096xf32>
    %max3A_150 = arith.maximumf %sqrt3A_147, %max3A_149 : vector<1x4096xf32>
    %div3A_151 = arith.constant 1.000000e+00 : f32
    %div3A_152 = vector.broadcast %div3A_151 : f32 to vector<1x4096xf32>
    %div3A_153 = arith.divf %div3A_152, %max3A_150 : vector<1x4096xf32>
    %mul3A_154 = vector.broadcast %div3A_153 : vector<1x4096xf32> to vector<8x4096xf32>
    %mul3A_155 = arith.mulf %add3A_142, %mul3A_154 : vector<8x4096xf32>
    %swap3A_156 = arith.constant 5 : index
    %swap3A_157 = arith.constant 0 : index
    %swap3A_158 = arith.constant 0 : index
    %swap3A_159 = vector.load %arg3[%swap3A_156, %swap3A_157, %swap3A_158] : memref<6x8x4096xf32, #tpu.memory_space<vmem>>, vector<1x8x4096xf32>
    %swap3A_160 = vector.shape_cast %swap3A_159 : vector<1x8x4096xf32> to vector<8x4096xf32>
    %swap3A_161 = vector.shape_cast %mul3A_155 : vector<8x4096xf32> to vector<1x8x4096xf32>
    tpu.vector_store %arg3[%swap3A_156, %swap3A_157, %swap3A_158], %swap3A_161 {strides = array<i32>} : memref<6x8x4096xf32, #tpu.memory_space<vmem>>, vector<1x8x4096xf32>,
    return
  }
  func.func @transform_0(%arg0: i32) -> (i32, i32) {
    %c0_i32 = arith.constant 0 : i32
    %c0_i32_0 = arith.constant 0 : i32
    return %c0_i32, %arg0 : i32, i32
  }
  func.func @transform_1(%arg0: i32) -> (i32, i32, i32) {
    %c0_i32 = arith.constant 0 : i32
    %c0_i32_0 = arith.constant 0 : i32
    %c0_i32_1 = arith.constant 0 : i32
    return %c0_i32, %c0_i32_0, %arg0 : i32, i32, i32
  }
  func.func @transform_2(%arg0: i32) -> (i32, i32, i32) {
    %c0_i32 = arith.constant 0 : i32
    %c0_i32_0 = arith.constant 0 : i32
    %c0_i32_1 = arith.constant 0 : i32
    return %c0_i32, %c0_i32_0, %arg0 : i32, i32, i32
  }
}

module attributes {stable_mosaic.version = 14 : i64} {
  func.func @_tc_main(%arg0: i32, %arg1: memref<4x2048x128xf32, #tpu.memory_space<vmem>>, %arg2: memref<6x8x2048xf32, #tpu.memory_space<vmem>>, %arg3: memref<8x2048xf32, #tpu.memory_space<vmem>>, %arg4: memref<128x128xf32, #tpu.memory_space<vmem>>, %arg5: memref<128x8xf32, #tpu.memory_space<vmem>>, %arg6: memref<1x128xf32, #tpu.memory_space<vmem>>, %arg7: memref<128x96x128xf32, #tpu.memory_space<vmem>>) attributes {dimension_semantics = [#tpu.dimension_semantics<arbitrary>], iteration_bounds = array<i64: 8>, scalar_prefetch = 0 : i64, scratch_operands = 0 : i64, tpu.core_type = #tpu.core_type<tc>, window_params = [{transform_indices = @transform_0, window_bounds = array<i64: 4, 2048, 128>}, {transform_indices = @transform_1, window_bounds = array<i64: 6, 8, 2048>}, {transform_indices = @transform_2, window_bounds = array<i64: 8, 2048>}, {pipeline_mode = #tpu.pipeline_mode<synchronous>, transform_indices = @transform_3, window_bounds = array<i64: 128, 128>}, {pipeline_mode = #tpu.pipeline_mode<synchronous>, transform_indices = @transform_4, window_bounds = array<i64: 128, 8>}, {pipeline_mode = #tpu.pipeline_mode<synchronous>, transform_indices = @transform_5, window_bounds = array<i64: 1, 128>}, {transform_indices = @transform_6, window_bounds = array<i64: 128, 96, 128>}]} {
    %get3A = arith.constant 0 : index
    %get3A_0 = arith.constant 0 : index
    %get3A_1 = vector.load %arg4[%get3A, %get3A_0] : memref<128x128xf32, #tpu.memory_space<vmem>>, vector<128x128xf32>
    %get3A_2 = arith.constant 0 : index
    %get3A_3 = arith.constant 0 : index
    %get3A_4 = vector.load %arg5[%get3A_2, %get3A_3] : memref<128x8xf32, #tpu.memory_space<vmem>>, vector<128x8xf32>
    %dot_general3A = arith.constant dense<0.000000e+00> : vector<128x8xf32>
    %dot_general3A_5 = tpu.matmul %get3A_1, %get3A_4, %dot_general3A {dimension_numbers = #tpu.dot_dimension_numbers<[1], [0], [0], [1], [0, 0, 1, 1], [], []>, transpose_lhs_hint = false} : vector<128x128xf32>, vector<128x8xf32>, vector<128x8xf32> -> vector<128x8xf32>
    %get3A_6 = arith.constant 0 : index
    %get3A_7 = arith.constant 0 : index
    %get3A_8 = vector.load %arg6[%get3A_6, %get3A_7] : memref<1x128xf32, #tpu.memory_space<vmem>>, vector<1x128xf32>
    %get3A_9 = arith.constant 0 : index
    %get3A_10 = arith.constant 0 : index
    %get3A_11 = vector.load %arg3[%get3A_9, %get3A_10] : memref<8x2048xf32, #tpu.memory_space<vmem>>, vector<1x2048xf32>
    %transpose3A = tpu.transpose %get3A_11, [1, 0] : vector<1x2048xf32> -> vector<2048x1xf32>
    %convert_element_type3A = arith.truncf %get3A_1 : vector<128x128xf32> to vector<128x128xbf16>
    %get3A_12 = arith.constant 0 : index
    %get3A_13 = arith.constant 0 : index
    %get3A_14 = arith.constant 0 : index
    %get3A_15 = vector.load %arg1[%get3A_12, %get3A_13, %get3A_14] : memref<4x2048x128xf32, #tpu.memory_space<vmem>>, vector<1x2048x128xf32>
    %get3A_16 = vector.shape_cast %get3A_15 : vector<1x2048x128xf32> to vector<2048x128xf32>
    %convert_element_type3A_17 = arith.truncf %get3A_16 : vector<2048x128xf32> to vector<2048x128xbf16>
    %dot_general3A_18 = arith.constant dense<0.000000e+00> : vector<2048x128xf32>
    %dot_general3A_19 = tpu.matmul %convert_element_type3A_17, %convert_element_type3A, %dot_general3A_18 {dimension_numbers = #tpu.dot_dimension_numbers<[1], [1], [0], [0], [0, 0, 1, 0], [], []>, transpose_lhs_hint = false} : vector<2048x128xbf16>, vector<128x128xbf16>, vector<2048x128xf32> -> vector<2048x128xf32>
    %get3A_20 = arith.constant 1 : index
    %get3A_21 = arith.constant 0 : index
    %get3A_22 = arith.constant 0 : index
    %get3A_23 = vector.load %arg1[%get3A_20, %get3A_21, %get3A_22] : memref<4x2048x128xf32, #tpu.memory_space<vmem>>, vector<1x2048x128xf32>
    %get3A_24 = vector.shape_cast %get3A_23 : vector<1x2048x128xf32> to vector<2048x128xf32>
    %convert_element_type3A_25 = arith.truncf %get3A_24 : vector<2048x128xf32> to vector<2048x128xbf16>
    %dot_general3A_26 = arith.constant dense<0.000000e+00> : vector<2048x128xf32>
    %dot_general3A_27 = tpu.matmul %convert_element_type3A_25, %convert_element_type3A, %dot_general3A_26 {dimension_numbers = #tpu.dot_dimension_numbers<[1], [1], [0], [0], [0, 0, 1, 0], [], []>, transpose_lhs_hint = false} : vector<2048x128xbf16>, vector<128x128xbf16>, vector<2048x128xf32> -> vector<2048x128xf32>
    %get3A_28 = arith.constant 2 : index
    %get3A_29 = arith.constant 0 : index
    %get3A_30 = arith.constant 0 : index
    %get3A_31 = vector.load %arg1[%get3A_28, %get3A_29, %get3A_30] : memref<4x2048x128xf32, #tpu.memory_space<vmem>>, vector<1x2048x128xf32>
    %get3A_32 = vector.shape_cast %get3A_31 : vector<1x2048x128xf32> to vector<2048x128xf32>
    %convert_element_type3A_33 = arith.truncf %get3A_32 : vector<2048x128xf32> to vector<2048x128xbf16>
    %dot_general3A_34 = arith.constant dense<0.000000e+00> : vector<2048x128xf32>
    %dot_general3A_35 = tpu.matmul %convert_element_type3A_33, %convert_element_type3A, %dot_general3A_34 {dimension_numbers = #tpu.dot_dimension_numbers<[1], [1], [0], [0], [0, 0, 1, 0], [], []>, transpose_lhs_hint = false} : vector<2048x128xbf16>, vector<128x128xbf16>, vector<2048x128xf32> -> vector<2048x128xf32>
    %get3A_36 = arith.constant 3 : index
    %get3A_37 = arith.constant 0 : index
    %get3A_38 = arith.constant 0 : index
    %get3A_39 = vector.load %arg1[%get3A_36, %get3A_37, %get3A_38] : memref<4x2048x128xf32, #tpu.memory_space<vmem>>, vector<1x2048x128xf32>
    %get3A_40 = vector.shape_cast %get3A_39 : vector<1x2048x128xf32> to vector<2048x128xf32>
    %convert_element_type3A_41 = arith.truncf %get3A_40 : vector<2048x128xf32> to vector<2048x128xbf16>
    %dot_general3A_42 = arith.constant dense<0.000000e+00> : vector<2048x128xf32>
    %dot_general3A_43 = tpu.matmul %convert_element_type3A_41, %convert_element_type3A, %dot_general3A_42 {dimension_numbers = #tpu.dot_dimension_numbers<[1], [1], [0], [0], [0, 0, 1, 0], [], []>, transpose_lhs_hint = false} : vector<2048x128xbf16>, vector<128x128xbf16>, vector<2048x128xf32> -> vector<2048x128xf32>
    %get3A_44 = arith.constant 0 : index
    %get3A_45 = arith.constant 0 : index
    %get3A_46 = arith.constant 0 : index
    %get3A_47 = vector.load %arg2[%get3A_44, %get3A_45, %get3A_46] : memref<6x8x2048xf32, #tpu.memory_space<vmem>>, vector<1x8x2048xf32>
    %get3A_48 = vector.shape_cast %get3A_47 : vector<1x8x2048xf32> to vector<8x2048xf32>
    %dot_general3A_49 = arith.constant dense<0.000000e+00> : vector<2048x128xf32>
    %dot_general3A_50 = tpu.matmul %get3A_48, %dot_general3A_5, %dot_general3A_49 {dimension_numbers = #tpu.dot_dimension_numbers<[0], [1], [1], [0], [0, 1, 1, 0], [], []>, transpose_lhs_hint = false} : vector<8x2048xf32>, vector<128x8xf32>, vector<2048x128xf32> -> vector<2048x128xf32>
    %add3A = arith.addf %dot_general3A_19, %dot_general3A_50 : vector<2048x128xf32>
    %add3A_51 = vector.broadcast %get3A_8 : vector<1x128xf32> to vector<2048x128xf32>
    %add3A_52 = arith.addf %add3A, %add3A_51 : vector<2048x128xf32>
    %mul3A = vector.broadcast %transpose3A : vector<2048x1xf32> to vector<2048x128xf32>
    %mul3A_53 = arith.mulf %add3A_52, %mul3A : vector<2048x128xf32>
    %reshape3A = vector.shape_cast %mul3A_53 : vector<2048x128xf32> to vector<128x16x128xf32>
    %swap3A = arith.constant 0 : index
    %swap3A_54 = arith.constant 0 : index
    %swap3A_55 = arith.constant 0 : index
    %swap3A_56 = vector.load %arg7[%swap3A, %swap3A_54, %swap3A_55] : memref<128x96x128xf32, #tpu.memory_space<vmem>>, vector<128x16x128xf32>
    tpu.vector_store %arg7[%swap3A, %swap3A_54, %swap3A_55], %reshape3A {strides = array<i32>} : memref<128x96x128xf32, #tpu.memory_space<vmem>>, vector<128x16x128xf32>,
    %get3A_57 = arith.constant 1 : index
    %get3A_58 = arith.constant 0 : index
    %get3A_59 = arith.constant 0 : index
    %get3A_60 = vector.load %arg2[%get3A_57, %get3A_58, %get3A_59] : memref<6x8x2048xf32, #tpu.memory_space<vmem>>, vector<1x8x2048xf32>
    %get3A_61 = vector.shape_cast %get3A_60 : vector<1x8x2048xf32> to vector<8x2048xf32>
    %dot_general3A_62 = arith.constant dense<0.000000e+00> : vector<2048x128xf32>
    %dot_general3A_63 = tpu.matmul %get3A_61, %dot_general3A_5, %dot_general3A_62 {dimension_numbers = #tpu.dot_dimension_numbers<[0], [1], [1], [0], [0, 1, 1, 0], [], []>, transpose_lhs_hint = false} : vector<8x2048xf32>, vector<128x8xf32>, vector<2048x128xf32> -> vector<2048x128xf32>
    %add3A_64 = arith.addf %dot_general3A_27, %dot_general3A_63 : vector<2048x128xf32>
    %add3A_65 = vector.broadcast %get3A_8 : vector<1x128xf32> to vector<2048x128xf32>
    %add3A_66 = arith.addf %add3A_64, %add3A_65 : vector<2048x128xf32>
    %mul3A_67 = vector.broadcast %transpose3A : vector<2048x1xf32> to vector<2048x128xf32>
    %mul3A_68 = arith.mulf %add3A_66, %mul3A_67 : vector<2048x128xf32>
    %reshape3A_69 = vector.shape_cast %mul3A_68 : vector<2048x128xf32> to vector<128x16x128xf32>
    %swap3A_70 = arith.constant 0 : index
    %swap3A_71 = arith.constant 16 : index
    %swap3A_72 = arith.constant 0 : index
    %swap3A_73 = vector.load %arg7[%swap3A_70, %swap3A_71, %swap3A_72] : memref<128x96x128xf32, #tpu.memory_space<vmem>>, vector<128x16x128xf32>
    tpu.vector_store %arg7[%swap3A_70, %swap3A_71, %swap3A_72], %reshape3A_69 {strides = array<i32>} : memref<128x96x128xf32, #tpu.memory_space<vmem>>, vector<128x16x128xf32>,
    %get3A_74 = arith.constant 2 : index
    %get3A_75 = arith.constant 0 : index
    %get3A_76 = arith.constant 0 : index
    %get3A_77 = vector.load %arg2[%get3A_74, %get3A_75, %get3A_76] : memref<6x8x2048xf32, #tpu.memory_space<vmem>>, vector<1x8x2048xf32>
    %get3A_78 = vector.shape_cast %get3A_77 : vector<1x8x2048xf32> to vector<8x2048xf32>
    %dot_general3A_79 = arith.constant dense<0.000000e+00> : vector<2048x128xf32>
    %dot_general3A_80 = tpu.matmul %get3A_78, %dot_general3A_5, %dot_general3A_79 {dimension_numbers = #tpu.dot_dimension_numbers<[0], [1], [1], [0], [0, 1, 1, 0], [], []>, transpose_lhs_hint = false} : vector<8x2048xf32>, vector<128x8xf32>, vector<2048x128xf32> -> vector<2048x128xf32>
    %add3A_81 = arith.addf %dot_general3A_19, %dot_general3A_80 : vector<2048x128xf32>
    %add3A_82 = vector.broadcast %get3A_8 : vector<1x128xf32> to vector<2048x128xf32>
    %add3A_83 = arith.addf %add3A_81, %add3A_82 : vector<2048x128xf32>
    %mul3A_84 = vector.broadcast %transpose3A : vector<2048x1xf32> to vector<2048x128xf32>
    %mul3A_85 = arith.mulf %add3A_83, %mul3A_84 : vector<2048x128xf32>
    %reshape3A_86 = vector.shape_cast %mul3A_85 : vector<2048x128xf32> to vector<128x16x128xf32>
    %swap3A_87 = arith.constant 0 : index
    %swap3A_88 = arith.constant 32 : index
    %swap3A_89 = arith.constant 0 : index
    %swap3A_90 = vector.load %arg7[%swap3A_87, %swap3A_88, %swap3A_89] : memref<128x96x128xf32, #tpu.memory_space<vmem>>, vector<128x16x128xf32>
    tpu.vector_store %arg7[%swap3A_87, %swap3A_88, %swap3A_89], %reshape3A_86 {strides = array<i32>} : memref<128x96x128xf32, #tpu.memory_space<vmem>>, vector<128x16x128xf32>,
    %get3A_91 = arith.constant 3 : index
    %get3A_92 = arith.constant 0 : index
    %get3A_93 = arith.constant 0 : index
    %get3A_94 = vector.load %arg2[%get3A_91, %get3A_92, %get3A_93] : memref<6x8x2048xf32, #tpu.memory_space<vmem>>, vector<1x8x2048xf32>
    %get3A_95 = vector.shape_cast %get3A_94 : vector<1x8x2048xf32> to vector<8x2048xf32>
    %dot_general3A_96 = arith.constant dense<0.000000e+00> : vector<2048x128xf32>
    %dot_general3A_97 = tpu.matmul %get3A_95, %dot_general3A_5, %dot_general3A_96 {dimension_numbers = #tpu.dot_dimension_numbers<[0], [1], [1], [0], [0, 1, 1, 0], [], []>, transpose_lhs_hint = false} : vector<8x2048xf32>, vector<128x8xf32>, vector<2048x128xf32> -> vector<2048x128xf32>
    %add3A_98 = arith.addf %dot_general3A_35, %dot_general3A_97 : vector<2048x128xf32>
    %add3A_99 = vector.broadcast %get3A_8 : vector<1x128xf32> to vector<2048x128xf32>
    %add3A_100 = arith.addf %add3A_98, %add3A_99 : vector<2048x128xf32>
    %mul3A_101 = vector.broadcast %transpose3A : vector<2048x1xf32> to vector<2048x128xf32>
    %mul3A_102 = arith.mulf %add3A_100, %mul3A_101 : vector<2048x128xf32>
    %reshape3A_103 = vector.shape_cast %mul3A_102 : vector<2048x128xf32> to vector<128x16x128xf32>
    %swap3A_104 = arith.constant 0 : index
    %swap3A_105 = arith.constant 48 : index
    %swap3A_106 = arith.constant 0 : index
    %swap3A_107 = vector.load %arg7[%swap3A_104, %swap3A_105, %swap3A_106] : memref<128x96x128xf32, #tpu.memory_space<vmem>>, vector<128x16x128xf32>
    tpu.vector_store %arg7[%swap3A_104, %swap3A_105, %swap3A_106], %reshape3A_103 {strides = array<i32>} : memref<128x96x128xf32, #tpu.memory_space<vmem>>, vector<128x16x128xf32>,
    %get3A_108 = arith.constant 4 : index
    %get3A_109 = arith.constant 0 : index
    %get3A_110 = arith.constant 0 : index
    %get3A_111 = vector.load %arg2[%get3A_108, %get3A_109, %get3A_110] : memref<6x8x2048xf32, #tpu.memory_space<vmem>>, vector<1x8x2048xf32>
    %get3A_112 = vector.shape_cast %get3A_111 : vector<1x8x2048xf32> to vector<8x2048xf32>
    %dot_general3A_113 = arith.constant dense<0.000000e+00> : vector<2048x128xf32>
    %dot_general3A_114 = tpu.matmul %get3A_112, %dot_general3A_5, %dot_general3A_113 {dimension_numbers = #tpu.dot_dimension_numbers<[0], [1], [1], [0], [0, 1, 1, 0], [], []>, transpose_lhs_hint = false} : vector<8x2048xf32>, vector<128x8xf32>, vector<2048x128xf32> -> vector<2048x128xf32>
    %add3A_115 = arith.addf %dot_general3A_19, %dot_general3A_114 : vector<2048x128xf32>
    %add3A_116 = vector.broadcast %get3A_8 : vector<1x128xf32> to vector<2048x128xf32>
    %add3A_117 = arith.addf %add3A_115, %add3A_116 : vector<2048x128xf32>
    %mul3A_118 = vector.broadcast %transpose3A : vector<2048x1xf32> to vector<2048x128xf32>
    %mul3A_119 = arith.mulf %add3A_117, %mul3A_118 : vector<2048x128xf32>
    %reshape3A_120 = vector.shape_cast %mul3A_119 : vector<2048x128xf32> to vector<128x16x128xf32>
    %swap3A_121 = arith.constant 0 : index
    %swap3A_122 = arith.constant 64 : index
    %swap3A_123 = arith.constant 0 : index
    %swap3A_124 = vector.load %arg7[%swap3A_121, %swap3A_122, %swap3A_123] : memref<128x96x128xf32, #tpu.memory_space<vmem>>, vector<128x16x128xf32>
    tpu.vector_store %arg7[%swap3A_121, %swap3A_122, %swap3A_123], %reshape3A_120 {strides = array<i32>} : memref<128x96x128xf32, #tpu.memory_space<vmem>>, vector<128x16x128xf32>,
    %get3A_125 = arith.constant 5 : index
    %get3A_126 = arith.constant 0 : index
    %get3A_127 = arith.constant 0 : index
    %get3A_128 = vector.load %arg2[%get3A_125, %get3A_126, %get3A_127] : memref<6x8x2048xf32, #tpu.memory_space<vmem>>, vector<1x8x2048xf32>
    %get3A_129 = vector.shape_cast %get3A_128 : vector<1x8x2048xf32> to vector<8x2048xf32>
    %dot_general3A_130 = arith.constant dense<0.000000e+00> : vector<2048x128xf32>
    %dot_general3A_131 = tpu.matmul %get3A_129, %dot_general3A_5, %dot_general3A_130 {dimension_numbers = #tpu.dot_dimension_numbers<[0], [1], [1], [0], [0, 1, 1, 0], [], []>, transpose_lhs_hint = false} : vector<8x2048xf32>, vector<128x8xf32>, vector<2048x128xf32> -> vector<2048x128xf32>
    %add3A_132 = arith.addf %dot_general3A_43, %dot_general3A_131 : vector<2048x128xf32>
    %add3A_133 = vector.broadcast %get3A_8 : vector<1x128xf32> to vector<2048x128xf32>
    %add3A_134 = arith.addf %add3A_132, %add3A_133 : vector<2048x128xf32>
    %mul3A_135 = vector.broadcast %transpose3A : vector<2048x1xf32> to vector<2048x128xf32>
    %mul3A_136 = arith.mulf %add3A_134, %mul3A_135 : vector<2048x128xf32>
    %reshape3A_137 = vector.shape_cast %mul3A_136 : vector<2048x128xf32> to vector<128x16x128xf32>
    %swap3A_138 = arith.constant 0 : index
    %swap3A_139 = arith.constant 80 : index
    %swap3A_140 = arith.constant 0 : index
    %swap3A_141 = vector.load %arg7[%swap3A_138, %swap3A_139, %swap3A_140] : memref<128x96x128xf32, #tpu.memory_space<vmem>>, vector<128x16x128xf32>
    tpu.vector_store %arg7[%swap3A_138, %swap3A_139, %swap3A_140], %reshape3A_137 {strides = array<i32>} : memref<128x96x128xf32, #tpu.memory_space<vmem>>, vector<128x16x128xf32>,
    return
  }
  func.func @transform_0(%arg0: i32) -> (i32, i32, i32) {
    %c0_i32 = arith.constant 0 : i32
    %c0_i32_0 = arith.constant 0 : i32
    %c0_i32_1 = arith.constant 0 : i32
    return %c0_i32, %arg0, %c0_i32_0 : i32, i32, i32
  }
  func.func @transform_1(%arg0: i32) -> (i32, i32, i32) {
    %c0_i32 = arith.constant 0 : i32
    %c0_i32_0 = arith.constant 0 : i32
    %c0_i32_1 = arith.constant 0 : i32
    return %c0_i32, %c0_i32_0, %arg0 : i32, i32, i32
  }
  func.func @transform_2(%arg0: i32) -> (i32, i32) {
    %c0_i32 = arith.constant 0 : i32
    %c0_i32_0 = arith.constant 0 : i32
    return %c0_i32, %arg0 : i32, i32
  }
  func.func @transform_3(%arg0: i32) -> (i32, i32) {
    %c0_i32 = arith.constant 0 : i32
    %c0_i32_0 = arith.constant 0 : i32
    %c0_i32_1 = arith.constant 0 : i32
    return %c0_i32, %c0_i32_0 : i32, i32
  }
  func.func @transform_4(%arg0: i32) -> (i32, i32) {
    %c0_i32 = arith.constant 0 : i32
    %c0_i32_0 = arith.constant 0 : i32
    %c0_i32_1 = arith.constant 0 : i32
    return %c0_i32, %c0_i32_0 : i32, i32
  }
  func.func @transform_5(%arg0: i32) -> (i32, i32) {
    %c0_i32 = arith.constant 0 : i32
    %c0_i32_0 = arith.constant 0 : i32
    %c0_i32_1 = arith.constant 0 : i32
    return %c0_i32, %c0_i32_0 : i32, i32
  }
  func.func @transform_6(%arg0: i32) -> (i32, i32, i32) {
    %c0_i32 = arith.constant 0 : i32
    %c0_i32_0 = arith.constant 0 : i32
    %c0_i32_1 = arith.constant 0 : i32
    return %arg0, %c0_i32, %c0_i32_0 : i32, i32, i32
  }
}

</mosaic_0001>

<sc_bundles>
// kernel: kernel.5.cloned.1.call-start
scs
__scs_entry_jumppad:
0x0: {  	(pc) =	sbr.rel $0x88, $3  }
0x1: {  	(tag) =	ssettag $0x0;
	lr =	simm.s32 $0x1  }
0x2: {  	[smem:$0x3F9A] =	sst lr;
	_ =	strace $0xD0000000  }
0x3: {  	_ = 	snop  }
0x4: {  	_ = 	snop  }
0x5: {  	_ = 	snop  }
0x6: {  	_ = 	snop  }
0x7: {  	_ = 	snop  }
__scs_overlays_trampoline_lowered:
0x8: {  	[smem:$0x3FA9] =	sst s0  }
0x9: {  	[smem:$0x3FAA] =	sst s1  }
0xa: {  	[smem:$0x3FAB] =	sst s2  }
0xb: {  	[smem:$0x3FAC] =	sst s3  }
0xc: {  	[smem:$0x3FAD] =	sst s4  }
0xd: {  	[smem:$0x3FAE] =	sst s5  }
0xe: {  	[smem:$0x3FAF] =	sst s6  }
0xf: {  	[smem:$0x3FB0] =	sst s7  }
0x10: {  	[smem:$0x3FB1] =	sst s8  }
0x11: {  	[smem:$0x3FB2] =	sst s9;
	s0 =	simm.s32 @!p0 $0x0  }
0x12: {  	s1 =	sld [smem:$0x3F98];
	s0 =	simm.s32 @p0 $0x1  }
0x13: {  	[smem:$0x3FB3] =	sst s0;
	s0 =	simm.s32 @!p1 $0x0  }
0x14: {  	s2 =	sld [smem:$0x3F97];
	s0 =	simm.s32 @p1 $0x1  }
0x15: {  	[smem:$0x3FB4] =	sst s0;
	s0 =	simm.s32 @!p2 $0x0  }
0x16: {  	s3 =	sld [smem:$0x3FDB];
	s0 =	simm.s32 @p2 $0x1  }
0x17: {  	s4 =	simm.s32 $0x1BF5;
	[smem:$0x3FB6] =	sst s0  }
0x18: {  	s0 =	sld [smem:$0x3F99];
	_ =	swait.ge [sflag:s4], $0x0  }
0x19: {  	s7 =	sld [smem:$0x3F9A]  }
0x1a: {  	s8 =	sadd.s32 $0xFFFFE003, lr  }
0x1b: {  	s9 =	sadd.s32 $0xFFFFFEF7, lr;
	s5 =	simm.s32 $0xFFFFFFFF;
	p2 =	slt.u32 s8, $0xFFFFF086  }
0x1c: {  	p1 =	slt.u32 s9, $0xF7A;
	s5 =	simm.s32 @!p2 $0x0  }
0x1d: {  	s5 =	simm.s32 @p1 $0x1;
	p0 =	seq.s32 s7, s2  }
0x1e: {  	s7 =	smul.u32 @!p0 $0xF7A, s2;
	p2 =	seq.s32 @!p0 s5, $0x0  }
0x1f: {  	s9 =	smul.u32 $0xF7A, s1;
	s8 =	simm.s32 @!p0 $0x1BF5;
	p2 =	por !p2, p0  }
0x20: {  	[sflag:s8] =	ssyncset.s32 @!p0 $0xFFFFF086;
	s6 =	sadd.s32 @!p0 s3, s7;
	s7 =	simm.s32 @!p0 $0x108  }
0x21: {  	s3 =	sadd.s32 s3, s9;
	s6 =	sadd.s32 @!p0 $0x88, s6;
	s7 =	simm.s32 @p2 $0x1082  }
0x22: {  	[simem:s7], [sflag:s8] =	dma.local @!p0 [hbm:s6], $0xF7A  }
0x23: {  	s9 =	sor.u32 $0xD0000000, s2;
	s6 =	simm.s32 $0x108;
	_ =	swait.ge @!p0 [sflag:s8], $0x0  }
0x24: {  	s3 =	sadd.s32 $0x88, s3;
	s6 =	simm.s32 @!p1 $0x1082;
	[sflag:s4] =	ssyncset.s32 $0xFFFFF086  }
0x25: {  	[simem:s6], [sflag:s4] =	dma.local [hbm:s3], $0xF7A  }
0x26: {  	[smem:$0x3F9A] =	sst s1;
	(tag) =	ssettag s2;
	_ =	strace s9  }
0x27: {  	s1 =	sld [smem:$0x3FAA]  }
0x28: {  	s2 =	sld [smem:$0x3FAB]  }
0x29: {  	s4 =	sld [smem:$0x3FAD]  }
0x2a: {  	p0 =	seq.s32 s5, $0x0;
	s5 =	sld [smem:$0x3FAE]  }
0x2b: {  	s6 =	sld [smem:$0x3FAF]  }
0x2c: {  	s7 =	sld [smem:$0x3FB0]  }
0x2d: {  	s3 =	simm.s32 $0x108;
	s8 =	sld [smem:$0x3FB1]  }
0x2e: {  	s3 =	simm.s32 @!p0 $0x1082;
	s9 =	sld [smem:$0x3FB2]  }
0x2f: {  	lr =	sadd.s32 s0, s3;
	s0 =	sld [smem:$0x3FA9]  }
0x30: {  	s3 =	sld [smem:$0x3FAC]  }
0x31: {  	[smem:$0x3FB5] =	sst s10  }
0x32: {  	s10 =	sld [smem:$0x3FB3];
	_ =	sdelay $0x3  }
0x33: {  	p0 =	seq.s32 s10, $0x1;
	s10 =	sld [smem:$0x3FB5];
	_ =	sdelay $0x3  }
0x34: {  	[smem:$0x3FB5] =	sst s10  }
0x35: {  	s10 =	sld [smem:$0x3FB4];
	_ =	sdelay $0x3  }
0x36: {  	p1 =	seq.s32 s10, $0x1;
	s10 =	sld [smem:$0x3FB5];
	_ =	sdelay $0x3  }
0x37: {  	[smem:$0x3FB5] =	sst s10  }
0x38: {  	s10 =	sld [smem:$0x3FB6]  }
0x39: {  	_ = 	snop;
	(pc) =	sbr.ind lr, $3  }
0x3a: {  	_ = 	snop  }
0x3b: {  	_ = 	snop  }
0x3c: {  	p2 =	seq.s32 s10, $0x1;
	s10 =	sld [smem:$0x3FB5]  }
0x3d: {  	_ =	shalt  }
0x3e: {  	_ =	shalt  }
0x3f: {  	_ =	shalt  }
0x40: {  	_ =	shalt  }
0x41: {  	_ =	shalt  }
0x42: {  	_ =	shalt  }
0x43: {  	_ =	shalt  }
0x44: {  	_ =	shalt  }
0x45: {  	_ =	shalt  }
0x46: {  	_ =	shalt  }
0x47: {  	_ =	shalt  }
0x48: {  	_ =	shalt  }
0x49: {  	_ =	shalt  }
0x4a: {  	_ =	shalt  }
0x4b: {  	_ =	shalt  }
0x4c: {  	_ =	shalt  }
0x4d: {  	_ =	shalt  }
0x4e: {  	_ =	shalt  }
0x4f: {  	_ =	shalt  }
0x50: {  	_ =	shalt  }
0x51: {  	_ =	shalt  }
0x52: {  	_ =	shalt  }
0x53: {  	_ =	shalt  }
0x54: {  	_ =	shalt  }
0x55: {  	_ =	shalt  }
0x56: {  	_ =	shalt  }
0x57: {  	_ =	shalt  }
0x58: {  	_ =	shalt  }
0x59: {  	_ =	shalt  }
0x5a: {  	_ =	shalt  }
0x5b: {  	_ =	shalt  }
0x5c: {  	_ =	shalt  }
0x5d: {  	_ =	shalt  }
0x5e: {  	_ =	shalt  }
0x5f: {  	_ =	shalt  }
0x60: {  	_ =	shalt  }
0x61: {  	_ =	shalt  }
0x62: {  	_ =	shalt  }
0x63: {  	_ =	shalt  }
0x64: {  	_ =	shalt  }
0x65: {  	_ =	shalt  }
0x66: {  	_ =	shalt  }
0x67: {  	_ =	shalt  }
0x68: {  	_ =	shalt  }
0x69: {  	_ =	shalt  }
0x6a: {  	_ =	shalt  }
0x6b: {  	_ =	shalt  }
0x6c: {  	_ =	shalt  }
0x6d: {  	_ =	shalt  }
0x6e: {  	_ =	shalt  }
0x6f: {  	_ =	shalt  }
0x70: {  	_ =	shalt  }
0x71: {  	_ =	shalt  }
0x72: {  	_ =	shalt  }
0x73: {  	_ =	shalt  }
0x74: {  	_ =	shalt  }
0x75: {  	_ =	shalt  }
0x76: {  	_ =	shalt  }
0x77: {  	_ =	shalt  }
0x78: {  	_ =	shalt  }
0x79: {  	_ =	shalt  }
0x7a: {  	_ =	shalt  }
0x7b: {  	_ =	shalt  }
0x7c: {  	_ =	shalt  }
0x7d: {  	_ =	shalt  }
0x7e: {  	_ =	shalt  }
0x7f: {  	_ =	shalt  }
0x80: {  	_ =	shalt  }
0x81: {  	_ =	shalt  }
0x82: {  	_ =	shalt  }
0x83: {  	_ =	shalt  }
0x84: {  	_ =	shalt  }
0x85: {  	_ =	shalt  }
0x86: {  	_ =	shalt  }
0x87: {  	_ =	shalt  }
.Lfunc_end0:
.L_simem_size_0:
called_computation_lowered:
.L_overlay_start_0:
0x88: {  	s2 =	sld [smem:$0x3FD9]  }
0x89: {  	s3 =	sld [smem:$0x3FFE];
	_ =	sdelay $0x1  }
0x8a: {  	s1 =	srdreg.scid  }
0x8b: {  	s0 =	sand.u32 $0x1, s1  }
0x8c: {  	s14 =	sshll.u32 s0, $0xA;
	s2 =	sadd.s32 s3, s2  }
0x8d: {  	s2 =	sadd.s32 s2, s14  }
0x8e: {  	[smem:$0x3FC1] =	sst s2  }
0x8f: {  	_ = 	snop  }
0x90: {  	s2 =	sld [smem:$0x3FD0];
	_ =	sdelay $0x2  }
0x91: {  	s4 =	simm.s32 $0xA;
	s5 =	simm.s32 $0x10;
	s15 =	sld [smem:$0x3FC6]  }
0x92: {  	[smem:s5], [sflag:s4] =	dma.local [hbm:s2], $0x1  }
0x93: {  	_ =	swait.eq [sflag:s4], $0x1  }
0x94: {  	[sflag:s4] =	ssyncset.done $0x0  }
0x95: {  	s16 =	sld [smem:$0x10];
	[sflag:s4] =	ssyncadd.s32 $0xFFFFFFFF  }
0x96: {  	s17 =	sld [smem:$0x13];
	(tm) =	ssettm $0x1  }
0x97: {  	s18 =	sld [smem:$0x3FFB];
	_ =	sdelay $0x3  }
0x98: {  	_ =	strace s18  }
0x99: {  	s5 =	sld [smem:$0x3FFC];
	_ =	sdelay $0x3  }
0x9a: {  	_ =	strace s5  }
0x9b: {  	s5 =	sld [smem:$0x3FFD];
	_ =	sdelay $0x3  }
0x9c: {  	_ =	strace s5  }
0x9d: {  	_ =	strace $0x8FFFFFFF  }
0x9e: {  	s19 =	sld [smem:$0x3FDB];
	_ =	sdelay $0x1  }
0x9f: {  	s6 =	simm.s32 $_scs_section_size  }
0xa0: {  	s7 =	simm.s32 $_size__tile_overlayer_lowered;
	s8 =	simm.s32 $_tile_overlayer_lowered  }
0xa1: {  	s22 =	simm.s32 $0x1BFF;
	s21 =	sshll.u32 s8, $0x1;
	s5 =	sadd.s32 s6, s19  }
0xa2: {  	s9 =	simm.s32 $0x0;
	s20 =	sshll.u32 s7, $0x1;
	s7 =	sadd.s32 s21, s5  }
0xa3: {  	[timem:s9], [sflag:s22] =	dma.local [hbm:s7], s20  }
0xa4: {  	_ =	swait.ge [sflag:s22], s20  }
0xa5: {  	s6 =	ssub.s32 $0x0, s20;
	[sflag:s22] =	ssyncset.done $0x0  }
0xa6: {  	[sflag:s22] =	ssyncadd.s32 s6;
	_ =	sdelay $0x1  }
0xa7: {  	s23 =	simm.s32 $0x1B8B  }
0xa8: {  	_ =	swait.ge [sflag:s23], $0x1  }
0xa9: {  	[sflag:s23] =	ssyncset.done $0x0  }
0xaa: {  	s25 =	simm.s32 $0x1B8E;
	s24 =	sld [smem:$0x3FFE];
	[sflag:s23] =	ssyncadd.s32 $0xFFFFFFFF  }
0xab: {  	s26 =	simm.s32 $execute0_lowered;
	[smem:$0x3FD2] =	sst s25  }
0xac: {  	s7 =	sshll.u32 s26, $0x1;
	_ =	strace $0x80000046;
	[dreg:$0x1] =	wrdreg $0xFFFFFFFF  }
0xad: {  	s28 =	simm.s32 $_size_execute0_lowered;
	s5 =	sadd.s32 s5, s7;
	[dreg:$0x0] =	wrdreg $0x0  }
0xae: {  	s7 =	sshll.u32 s28, $0x1;
	[dreg:$0x2] =	wrdreg s5  }
0xaf: {  	[dreg:$0x3] =	wrdreg s7  }
0xb0: {  	[dreg:$0x4] =	wrdreg $0xC0  }
0xb1: {  	_ =	task [dreg:s9], $0x5FFFF  }
0xb2: {  	[dreg:$0x1] =	wrdreg $0xFFFFFFFF  }
0xb3: {  	[dreg:$0x0] =	wrdreg $0x60  }
0xb4: {  	[dreg:$0x2] =	wrdreg s15  }
0xb5: {  	[dreg:$0x3] =	wrdreg s17  }
0xb6: {  	[dreg:$0x4] =	wrdreg s16  }
0xb7: {  	[dreg:$0x5] =	wrdreg s24  }
0xb8: {  	[dreg:$0x6] =	wrdreg $0x9  }
0xb9: {  	_ =	task.clear_ibuf [dreg:s9], $0x7FFFF;
	_ =	strace $0x90000046  }
0xba: {  	s29 =	simm.s32 $0x9;
	_ =	strace $0x80000048  }
0xbb: {  	_ =	swait.ge [sflag:s29], $0x1  }
0xbc: {  	[sflag:s29] =	ssyncadd.s32 $0xFFFFFFFF  }
0xbd: {  	_ =	strace $0x90000048  }
0xbe: {  	_ =	sfence  }
0xbf: {  	s30 =	sld [smem:$0x0];
	_ =	sdelay $0x2  }
0xc0: {  	s31 =	sshll.u32 s1, $0xD;
	s1 =	sshrl.u32 s1, $0x2  }
0xc1: {  	s3 =	sand.u32 $0x4000, s31;
	s1 =	sadd.s32 s1, s30  }
0xc2: {  	s0 =	sor.u32 s3, s0;
	s1 =	sshll.u32 s1, $0x11  }
0xc3: {  	s0 =	sor.u32 s1, s0  }
0xc4: {  	s0 =	sadd.s32 $0x8F2B, s0  }
0xc5: {  	[sflag:s0] =	ssyncadd.remote.s32 $0x1  }
0xc6: {  	_ =	sfence.sel $0xFFFF  }
0xc7: {  	[dreg:$0x0] =	wrdreg $0xFFFFFFFF;
	(pc) =	sbr.abs _section_cstart, $3  }
0xc8: {  	[dreg:$0x1] =	wrdreg $0xFFFFFFFF  }
0xc9: {  	_ =	task.clear_ibuf [dreg:s9], $0x2FFFF;
	_ =	strace $0x9FFFFFFF  }
0xca: {  	(tm) =	ssettm $0x7FFFFFFF  }
0xcb: {  	_ =	shalt  }
tec
execute0_lowered:
.L_overlay_start_1:
0x0: {  	(tag) =	ssettag $0x1  }
0x1: {  	s3 =	rddreg [dreg:$0x0]  }
0x2: {  	s30 =	rddreg [dreg:$0x1];
	s0 =	srdreg.scid  }
0x3: {  	s1 =	rddreg [dreg:$0x2];
	s2 =	stileid.u32  }
0x4: {  	s4 =	rddreg [dreg:$0x3];
	s10 =	simm.s32 $0x100;
	s11 =	simm.s32 $0x180  }
0x5: {  	s0 =	sand.u32 $0x1, s0;
	s5 =	sshll.u32 s2, $0xC;
	s2 =	simm.s32 $0x0  }
0x6: {  	s6 =	sshll.u32 s0, $0xB;
	[smem:$0x7FF] =	sst s2;
	s0 =	ssub.s32 $0x2, s0  }
0x7: {  	s5 =	sor.u32 s6, s5;
	_ =	strace $0x80000047;
	[dreg:$0x17] =	wrdreg s10  }
0x8: {  	s31 =	sshrl.u32 s0, $0x1;
	[dreg:$0x18] =	wrdreg s11;
	s6 =	sshll.u32 s5, $0x4  }
0x9: {  	s5 =	sshrl.u32 s5, $0x3;
	s0 =	ssub.s32 s0, s31;
	s31 =	simm.s32 $0x780  }
0xa: {  	s6 =	sadd.s32 s6, s4;
	s1 =	sadd.s32 s1, s5;
	[smem:$0x7FD] =	sst s31  }
0xb: {  	[dreg:$0x5] =	wrdreg s1;
	s12 =	sadd.s32 $0x3800, s6  }
0xc: {  	s13 =	sadd.s32 $0x4000, s6;
	[dreg:$0x6] =	wrdreg s12  }
0xd: {  	s14 =	sadd.s32 $0x4800, s6;
	[dreg:$0x7] =	wrdreg s13  }
0xe: {  	s15 =	sadd.s32 $0x5000, s6;
	[dreg:$0x8] =	wrdreg s14  }
0xf: {  	s16 =	sadd.s32 $0x5800, s6;
	[dreg:$0x9] =	wrdreg s15  }
0x10: {  	s17 =	sadd.s32 $0x6000, s6;
	[dreg:$0xa] =	wrdreg s16  }
0x11: {  	s18 =	sadd.s32 $0x6800, s6;
	[dreg:$0xb] =	wrdreg s17  }
0x12: {  	s19 =	sadd.s32 $0x7000, s6;
	[dreg:$0xc] =	wrdreg s18  }
0x13: {  	s20 =	sadd.s32 $0x7800, s6;
	[dreg:$0xd] =	wrdreg s19  }
0x14: {  	s21 =	sadd.s32 $0x8000, s6;
	[dreg:$0xe] =	wrdreg s20  }
0x15: {  	s22 =	sadd.s32 $0x8800, s6;
	[dreg:$0xf] =	wrdreg s21  }
0x16: {  	s23 =	sadd.s32 $0x9000, s6;
	[dreg:$0x10] =	wrdreg s22  }
0x17: {  	s28 =	simm.s32 $0x1A;
	s24 =	sadd.s32 $0x9800, s6;
	[dreg:$0x11] =	wrdreg s23  }
0x18: {  	p0 =	por $0x0, $0x0;
	s25 =	sadd.s32 $0xA000, s6;
	[dreg:$0x12] =	wrdreg s24  }
0x19: {  	s29 =	simm.s32 $0xD000;
	s26 =	sadd.s32 $0xA800, s6;
	[dreg:$0x13] =	wrdreg s25  }
0x1a: {  	s4 =	sadd.s32 s5, s4;
	s7 =	sadd.s32 $0xB000, s6;
	[dreg:$0x14] =	wrdreg s26  }
0x1b: {  	s10 =	simm.s32 $0xB00;
	s8 =	sadd.s32 $0x1800, s4;
	[dreg:$0x15] =	wrdreg s7  }
0x1c: {  	s9 =	smax.u32 s0, $0x1;
	s5 =	simm.s32 $0x80;
	[dreg:$0x16] =	wrdreg s8  }
0x1d: {  	s0 =	simm.s32 $0x800;
	s12 =	simm.s32 $0x200;
	s1 =	rddreg [dreg:$0x5]  }
0x1e: {  	p1 =	sne.s32 s9, $0x1;
	s13 =	simm.s32 $0x280;
	[dreg:$0x19] =	wrdreg s12  }
0x1f: {  	s6 =	simm.s32 $0x16;
	s14 =	simm.s32 $0x300;
	[dreg:$0x1a] =	wrdreg s13  }
0x20: {  	s4 =	simm.s32 $0xC;
	s16 =	simm.s32 $0x380;
	[dreg:$0x1b] =	wrdreg s14  }
0x21: {  	s26 =	simm.s32 $0x980;
	s17 =	simm.s32 $0x400;
	[dreg:$0x1c] =	wrdreg s16  }
0x22: {  	s23 =	simm.s32 $0xA00;
	s18 =	simm.s32 $0x480;
	[dreg:$0x1d] =	wrdreg s17  }
0x23: {  	s15 =	simm.s32 $0xA80;
	s19 =	simm.s32 $0x500;
	[dreg:$0x1e] =	wrdreg s18  }
0x24: {  	s24 =	simm.s32 $0xB80;
	s20 =	simm.s32 $0x580;
	[dreg:$0x1f] =	wrdreg s19  }
0x25: {  	s21 =	simm.s32 $0x600;
	s22 =	simm.s32 $0x680;
	[smem:$0x7F9] =	sst s20  }
.Ltmp0:
0x26: {  	s25 =	simm.s32 $0x700;
	[smem:$0x7FA] =	sst s21;
	(pc) =	sbr.rel @!p1 .LBB2_1-.Ltmp0, $4  }
0x27: {  	s7 =	simm.s32 $0x17;
	s8 =	simm.s32 $0x18;
	[smem:$0x7FB] =	sst s22  }
0x28: {  	[smem:$0x7FC] =	sst s25;
	s13 =	simm.s32 $0x1000;
	s12 =	sadd.s32 $0xFFFFFFFF, s9  }
0x29: {  	s14 =	simm.s32 $0x5000;
	s19 =	simm.s32 $0x12;
	s18 =	simm.s32 $0x13  }
0x2a: {  	s17 =	simm.s32 $0x14;
	s16 =	simm.s32 $0x15;
	s9 =	simm.s32 $0x19  }
0x2b: {  	[tilespmem:s2], [sflag:$0x1A] =	stream.linear.gather [hbm4b:s1+s2], $0x800, $0x38;
	[tilespmem:$0x11000] =	vst v63  }
0x2c: {  	_ =	swait.ge [sflag:s28], $0x800  }
0x2d: {  	[sflag:s28] =	ssyncset.done $0x0  }
0x2e: {  	[sflag:s28] =	ssyncadd.s32 $0xFFFFF800  }
0x2f: {  	[tilespmem:s0], [sflag:$0x1] =	stream.indirect.gather [hbm4b:s30+s5], $0x1, s2, s5, $0xb8;
	[tilespmem:$0x11000] =	vst v63  }
0x30: {  	s31 =	rddreg [dreg:$0x17];
	s0 =	simm.s32 $0x880  }
0x31: {  	[tilespmem:s0], [sflag:$0x2] =	stream.indirect.gather [hbm4b:s30+s5], $0x1, s5, s5, $0xb8;
	[tilespmem:$0x11000] =	vst v63  }
0x32: {  	s22 =	simm.s32 $0x900;
	s1 =	rddreg [dreg:$0x1f]  }
0x33: {  	[tilespmem:s22], [sflag:$0x3] =	stream.indirect.gather [hbm4b:s30+s5], $0x1, s31, s5, $0xb8;
	[tilespmem:$0x11000] =	vst v63  }
0x34: {  	s28 =	rddreg [dreg:$0x18]  }
0x35: {  	[tilespmem:s26], [sflag:$0x4] =	stream.indirect.gather [hbm4b:s30+s5], $0x1, s28, s5, $0xb8;
	[tilespmem:$0x11000] =	vst v63  }
0x36: {  	s31 =	rddreg [dreg:$0x19]  }
0x37: {  	[tilespmem:s23], [sflag:$0x5] =	stream.indirect.gather [hbm4b:s30+s5], $0x1, s31, s5, $0xb8;
	[tilespmem:$0x11000] =	vst v63  }
0x38: {  	s28 =	rddreg [dreg:$0x1a]  }
0x39: {  	[tilespmem:s15], [sflag:$0x6] =	stream.indirect.gather [hbm4b:s30+s5], $0x1, s28, s5, $0xb8;
	[tilespmem:$0x11000] =	vst v63  }
0x3a: {  	s31 =	rddreg [dreg:$0x1b]  }
0x3b: {  	[tilespmem:s10], [sflag:$0x7] =	stream.indirect.gather [hbm4b:s30+s5], $0x1, s31, s5, $0xb8;
	[tilespmem:$0x11000] =	vst v63  }
0x3c: {  	s28 =	rddreg [dreg:$0x1c]  }
0x3d: {  	[tilespmem:s24], [sflag:$0x8] =	stream.indirect.gather [hbm4b:s30+s5], $0x1, s28, s5, $0xb8;
	[tilespmem:$0x11000] =	vst v63  }
0x3e: {  	s10 =	rddreg [dreg:$0x1d];
	s24 =	simm.s32 $0xC00  }
0x3f: {  	[tilespmem:s24], [sflag:$0x9] =	stream.indirect.gather [hbm4b:s30+s5], $0x1, s10, s5, $0xb8;
	[tilespmem:$0x11000] =	vst v63  }
0x40: {  	s31 =	simm.s32 $0xC80;
	s28 =	rddreg [dreg:$0x1e]  }
0x41: {  	[tilespmem:s31], [sflag:$0xA] =	stream.indirect.gather [hbm4b:s30+s5], $0x1, s28, s5, $0xb8;
	[tilespmem:$0x11000] =	vst v63  }
0x42: {  	s28 =	sld [smem:$0x7F9];
	s31 =	simm.s32 $0xD00  }
0x43: {  	[tilespmem:s31], [sflag:$0xB] =	stream.indirect.gather [hbm4b:s30+s5], $0x1, s1, s5, $0xb8;
	[tilespmem:$0x11000] =	vst v63  }
0x44: {  	s1 =	sld [smem:$0x7FA];
	s31 =	simm.s32 $0xD80  }
0x45: {  	[tilespmem:s31], [sflag:$0xC] =	stream.indirect.gather [hbm4b:s30+s5], $0x1, s28, s5, $0xb8;
	[tilespmem:$0x11000] =	vst v63  }
0x46: {  	s29 =	simm.s32 $0xE00;
	s28 =	sld [smem:$0x7FB]  }
0x47: {  	[tilespmem:s29], [sflag:$0xD] =	stream.indirect.gather [hbm4b:s30+s5], $0x1, s1, s5, $0xb8;
	[tilespmem:$0x11000] =	vst v63  }
0x48: {  	s1 =	sld [smem:$0x7FC];
	s29 =	simm.s32 $0xE80  }
0x49: {  	[tilespmem:s29], [sflag:$0xE] =	stream.indirect.gather [hbm4b:s30+s5], $0x1, s28, s5, $0xb8;
	[tilespmem:$0x11000] =	vst v63  }
0x4a: {  	s28 =	sld [smem:$0x7FD];
	s29 =	simm.s32 $0xF00  }
0x4b: {  	[tilespmem:s29], [sflag:$0xF] =	stream.indirect.gather [hbm4b:s30+s5], $0x1, s1, s5, $0xb8;
	[tilespmem:$0x11000] =	vst v63  }
0x4c: {  	s1 =	simm.s32 $0xF80  }
0x4d: {  	[tilespmem:s1], [sflag:$0x10] =	stream.indirect.gather [hbm4b:s30+s5], $0x1, s28, s5, $0xb8;
	[tilespmem:$0x11000] =	vst v63  }
0x4e: {  	s1 =	simm.s32 $0x1  }
0x4f: {  	_ =	swait.ge [sflag:s1], $0x80  }
0x50: {  	[sflag:s1] =	ssyncset.done $0x0  }
0x51: {  	s21 =	simm.s32 $0x800;
	[sflag:s1] =	ssyncadd.s32 $0xFFFFFF80;
	s1 =	simm.s32 $0x2  }
0x52: {  	[tilespmem:s13], [sflag:$0x12] =	stream.indirect.gather [hbm4b:s3+s5], $0x80, s21, s5, $0xb8;
	[tilespmem:$0x11000] =	vst v63  }
0x53: {  	_ =	swait.ge [sflag:s1], $0x80  }
0x54: {  	[sflag:s1] =	ssyncset.done $0x0  }
0x55: {  	[sflag:s1] =	ssyncadd.s32 $0xFFFFFF80;
	s1 =	simm.s32 $0x3  }
0x56: {  	[tilespmem:s14], [sflag:$0x13] =	stream.indirect.gather [hbm4b:s3+s5], $0x80, s0, s5, $0xb8;
	[tilespmem:$0x11000] =	vst v63  }
0x57: {  	_ =	swait.ge [sflag:s1], $0x80  }
0x58: {  	[sflag:s1] =	ssyncset.done $0x0  }
0x59: {  	s11 =	simm.s32 $0x9000;
	[sflag:s1] =	ssyncadd.s32 $0xFFFFFF80;
	s1 =	simm.s32 $0x4  }
0x5a: {  	[tilespmem:s11], [sflag:$0x14] =	stream.indirect.gather [hbm4b:s3+s5], $0x80, s22, s5, $0xb8;
	[tilespmem:$0x11000] =	vst v63  }
0x5b: {  	_ =	swait.ge [sflag:s1], $0x80  }
0x5c: {  	[sflag:s1] =	ssyncset.done $0x0  }
0x5d: {  	s10 =	simm.s32 $0xD000;
	[sflag:s1] =	ssyncadd.s32 $0xFFFFFF80  }
0x5e: {  	[tilespmem:s10], [sflag:$0x15] =	stream.indirect.gather [hbm4b:s3+s5], $0x80, s26, s5, $0xb8;
	[tilespmem:$0x11000] =	vst v63  }
0x5f: {  	_ =	swait.ge [sflag:s19], $0x4000  }
0x60: {  	[sflag:s19] =	ssyncset.done $0x0  }
0x61: {  	s22 =	rddreg [dreg:$0x6];
	[sflag:s19] =	ssyncadd.s32 $0xFFFFC000  }
0x62: {  	[hbm4b:s22+s2] =	stream.linear.scatter [tilespmem:s13], [sflag:$0x16], $0x4000, $0x38;
	[tilespmem:$0x11000] =	vst v63  }
0x63: {  	_ =	swait.ge [sflag:s6], $0x4000  }
0x64: {  	[sflag:s6] =	ssyncset.done $0x0  }
0x65: {  	s26 =	simm.s32 $0x5;
	[sflag:s6] =	ssyncadd.s32 $0xFFFFC000  }
0x66: {  	_ =	swait.ge [sflag:s26], $0x80  }
0x67: {  	[sflag:s26] =	ssyncset.done $0x0  }
0x68: {  	[sflag:s26] =	ssyncadd.s32 $0xFFFFFF80  }
0x69: {  	[tilespmem:s13], [sflag:$0x12] =	stream.indirect.gather [hbm4b:s3+s5], $0x80, s23, s5, $0xb8;
	[tilespmem:$0x11000] =	vst v63  }
0x6a: {  	_ =	swait.ge [sflag:s18], $0x4000  }
0x6b: {  	[sflag:s18] =	ssyncset.done $0x0  }
0x6c: {  	s0 =	rddreg [dreg:$0x7];
	[sflag:s18] =	ssyncadd.s32 $0xFFFFC000  }
0x6d: {  	[hbm4b:s0+s2] =	stream.linear.scatter [tilespmem:s14], [sflag:$0x17], $0x4000, $0x38;
	[tilespmem:$0x11000] =	vst v63  }
0x6e: {  	_ =	swait.ge [sflag:s7], $0x4000  }
0x6f: {  	[sflag:s7] =	ssyncset.done $0x0  }
0x70: {  	s1 =	simm.s32 $0x6;
	[sflag:s7] =	ssyncadd.s32 $0xFFFFC000  }
0x71: {  	_ =	swait.ge [sflag:s1], $0x80  }
0x72: {  	[sflag:s1] =	ssyncset.done $0x0  }
0x73: {  	[sflag:s1] =	ssyncadd.s32 $0xFFFFFF80  }
0x74: {  	[tilespmem:s14], [sflag:$0x13] =	stream.indirect.gather [hbm4b:s3+s5], $0x80, s15, s5, $0xb8;
	[tilespmem:$0x11000] =	vst v63  }
0x75: {  	_ =	swait.ge [sflag:s17], $0x4000  }
0x76: {  	[sflag:s17] =	ssyncset.done $0x0  }
0x77: {  	s11 =	simm.s32 $0x9000;
	s22 =	rddreg [dreg:$0x8];
	[sflag:s17] =	ssyncadd.s32 $0xFFFFC000  }
0x78: {  	[hbm4b:s22+s2] =	stream.linear.scatter [tilespmem:s11], [sflag:$0x18], $0x4000, $0x38;
	[tilespmem:$0x11000] =	vst v63  }
0x79: {  	_ =	swait.ge [sflag:s8], $0x4000  }
0x7a: {  	[sflag:s8] =	ssyncset.done $0x0  }
0x7b: {  	s23 =	simm.s32 $0x7;
	[sflag:s8] =	ssyncadd.s32 $0xFFFFC000  }
0x7c: {  	_ =	swait.ge [sflag:s23], $0x80  }
0x7d: {  	[sflag:s23] =	ssyncset.done $0x0  }
0x7e: {  	s26 =	simm.s32 $0xB00;
	[sflag:s23] =	ssyncadd.s32 $0xFFFFFF80  }
0x7f: {  	[tilespmem:s11], [sflag:$0x14] =	stream.indirect.gather [hbm4b:s3+s5], $0x80, s26, s5, $0xb8;
	[tilespmem:$0x11000] =	vst v63  }
0x80: {  	_ =	swait.ge [sflag:s16], $0x4000  }
0x81: {  	[sflag:s16] =	ssyncset.done $0x0  }
0x82: {  	s0 =	rddreg [dreg:$0x9];
	[sflag:s16] =	ssyncadd.s32 $0xFFFFC000  }
0x83: {  	[hbm4b:s0+s2] =	stream.linear.scatter [tilespmem:s10], [sflag:$0x19], $0x4000, $0x38;
	[tilespmem:$0x11000] =	vst v63  }
0x84: {  	_ =	swait.ge [sflag:s9], $0x4000  }
0x85: {  	[sflag:s9] =	ssyncset.done $0x0  }
0x86: {  	s15 =	simm.s32 $0x8;
	[sflag:s9] =	ssyncadd.s32 $0xFFFFC000  }
0x87: {  	_ =	swait.ge [sflag:s15], $0x80  }
0x88: {  	[sflag:s15] =	ssyncset.done $0x0  }
0x89: {  	s22 =	simm.s32 $0xB80;
	[sflag:s15] =	ssyncadd.s32 $0xFFFFFF80  }
0x8a: {  	[tilespmem:s10], [sflag:$0x15] =	stream.indirect.gather [hbm4b:s3+s5], $0x80, s22, s5, $0xb8;
	[tilespmem:$0x11000] =	vst v63  }
0x8b: {  	_ =	swait.ge [sflag:s19], $0x4000  }
0x8c: {  	[sflag:s19] =	ssyncset.done $0x0  }
0x8d: {  	s23 =	rddreg [dreg:$0xa];
	[sflag:s19] =	ssyncadd.s32 $0xFFFFC000  }
0x8e: {  	[hbm4b:s23+s2] =	stream.linear.scatter [tilespmem:s13], [sflag:$0x16], $0x4000, $0x38;
	[tilespmem:$0x11000] =	vst v63  }
0x8f: {  	_ =	swait.ge [sflag:s6], $0x4000  }
0x90: {  	[sflag:s6] =	ssyncset.done $0x0  }
0x91: {  	s26 =	simm.s32 $0x9;
	[sflag:s6] =	ssyncadd.s32 $0xFFFFC000  }
0x92: {  	_ =	swait.ge [sflag:s26], $0x80  }
0x93: {  	[sflag:s26] =	ssyncset.done $0x0  }
0x94: {  	[sflag:s26] =	ssyncadd.s32 $0xFFFFFF80  }
0x95: {  	[tilespmem:s13], [sflag:$0x12] =	stream.indirect.gather [hbm4b:s3+s5], $0x80, s24, s5, $0xb8;
	[tilespmem:$0x11000] =	vst v63  }
0x96: {  	_ =	swait.ge [sflag:s18], $0x4000  }
0x97: {  	[sflag:s18] =	ssyncset.done $0x0  }
0x98: {  	s0 =	rddreg [dreg:$0xb];
	[sflag:s18] =	ssyncadd.s32 $0xFFFFC000  }
0x99: {  	[hbm4b:s0+s2] =	stream.linear.scatter [tilespmem:s14], [sflag:$0x17], $0x4000, $0x38;
	[tilespmem:$0x11000] =	vst v63  }
0x9a: {  	_ =	swait.ge [sflag:s7], $0x4000  }
0x9b: {  	[sflag:s7] =	ssyncset.done $0x0  }
0x9c: {  	s20 =	simm.s32 $0xA;
	[sflag:s7] =	ssyncadd.s32 $0xFFFFC000  }
0x9d: {  	_ =	swait.ge [sflag:s20], $0x80  }
0x9e: {  	[sflag:s20] =	ssyncset.done $0x0  }
0x9f: {  	s1 =	simm.s32 $0xC80;
	[sflag:s20] =	ssyncadd.s32 $0xFFFFFF80  }
0xa0: {  	[tilespmem:s14], [sflag:$0x13] =	stream.indirect.gather [hbm4b:s3+s5], $0x80, s1, s5, $0xb8;
	[tilespmem:$0x11000] =	vst v63  }
0xa1: {  	_ =	swait.ge [sflag:s17], $0x4000  }
0xa2: {  	[sflag:s17] =	ssyncset.done $0x0  }
0xa3: {  	s15 =	rddreg [dreg:$0xc];
	[sflag:s17] =	ssyncadd.s32 $0xFFFFC000  }
0xa4: {  	[hbm4b:s15+s2] =	stream.linear.scatter [tilespmem:s11], [sflag:$0x18], $0x4000, $0x38;
	[tilespmem:$0x11000] =	vst v63  }
0xa5: {  	_ =	swait.ge [sflag:s8], $0x4000  }
0xa6: {  	[sflag:s8] =	ssyncset.done $0x0  }
0xa7: {  	s25 =	simm.s32 $0xB;
	[sflag:s8] =	ssyncadd.s32 $0xFFFFC000  }
0xa8: {  	_ =	swait.ge [sflag:s25], $0x80  }
0xa9: {  	[sflag:s25] =	ssyncset.done $0x0  }
0xaa: {  	s20 =	simm.s32 $0xD00;
	[sflag:s25] =	ssyncadd.s32 $0xFFFFFF80  }
0xab: {  	[tilespmem:s11], [sflag:$0x14] =	stream.indirect.gather [hbm4b:s3+s5], $0x80, s20, s5, $0xb8;
	[tilespmem:$0x11000] =	vst v63  }
0xac: {  	_ =	swait.ge [sflag:s16], $0x4000  }
0xad: {  	[sflag:s16] =	ssyncset.done $0x0  }
0xae: {  	s22 =	rddreg [dreg:$0xd];
	[sflag:s16] =	ssyncadd.s32 $0xFFFFC000  }
0xaf: {  	[hbm4b:s22+s2] =	stream.linear.scatter [tilespmem:s10], [sflag:$0x19], $0x4000, $0x38;
	[tilespmem:$0x11000] =	vst v63  }
0xb0: {  	_ =	swait.ge [sflag:s9], $0x4000  }
0xb1: {  	[sflag:s9] =	ssyncset.done $0x0  }
0xb2: {  	[sflag:s9] =	ssyncadd.s32 $0xFFFFC000  }
0xb3: {  	_ =	swait.ge [sflag:s4], $0x80  }
0xb4: {  	[sflag:s4] =	ssyncset.done $0x0  }
0xb5: {  	s23 =	simm.s32 $0xD80;
	[sflag:s4] =	ssyncadd.s32 $0xFFFFFF80  }
0xb6: {  	[tilespmem:s10], [sflag:$0x15] =	stream.indirect.gather [hbm4b:s3+s5], $0x80, s23, s5, $0xb8;
	[tilespmem:$0x11000] =	vst v63  }
0xb7: {  	_ =	swait.ge [sflag:s19], $0x4000  }
0xb8: {  	[sflag:s19] =	ssyncset.done $0x0  }
0xb9: {  	s24 =	rddreg [dreg:$0xe];
	[sflag:s19] =	ssyncadd.s32 $0xFFFFC000  }
0xba: {  	[hbm4b:s24+s2] =	stream.linear.scatter [tilespmem:s13], [sflag:$0x16], $0x4000, $0x38;
	[tilespmem:$0x11000] =	vst v63  }
0xbb: {  	_ =	swait.ge [sflag:s6], $0x4000  }
0xbc: {  	[sflag:s6] =	ssyncset.done $0x0  }
0xbd: {  	s31 =	simm.s32 $0xD;
	[sflag:s6] =	ssyncadd.s32 $0xFFFFC000  }
0xbe: {  	_ =	swait.ge [sflag:s31], $0x80  }
0xbf: {  	[sflag:s31] =	ssyncset.done $0x0  }
0xc0: {  	s25 =	simm.s32 $0xE00;
	[sflag:s31] =	ssyncadd.s32 $0xFFFFFF80  }
0xc1: {  	[tilespmem:s13], [sflag:$0x12] =	stream.indirect.gather [hbm4b:s3+s5], $0x80, s25, s5, $0xb8;
	[tilespmem:$0x11000] =	vst v63  }
0xc2: {  	_ =	swait.ge [sflag:s18], $0x4000  }
0xc3: {  	[sflag:s18] =	ssyncset.done $0x0  }
0xc4: {  	s26 =	rddreg [dreg:$0xf];
	[sflag:s18] =	ssyncadd.s32 $0xFFFFC000  }
0xc5: {  	[hbm4b:s26+s2] =	stream.linear.scatter [tilespmem:s14], [sflag:$0x17], $0x4000, $0x38;
	[tilespmem:$0x11000] =	vst v63  }
0xc6: {  	_ =	swait.ge [sflag:s7], $0x4000  }
0xc7: {  	[sflag:s7] =	ssyncset.done $0x0  }
0xc8: {  	s31 =	simm.s32 $0xE;
	[sflag:s7] =	ssyncadd.s32 $0xFFFFC000  }
0xc9: {  	_ =	swait.ge [sflag:s31], $0x80  }
0xca: {  	[sflag:s31] =	ssyncset.done $0x0  }
0xcb: {  	s1 =	simm.s32 $0xE80;
	[sflag:s31] =	ssyncadd.s32 $0xFFFFFF80  }
0xcc: {  	[tilespmem:s14], [sflag:$0x13] =	stream.indirect.gather [hbm4b:s3+s5], $0x80, s1, s5, $0xb8;
	[tilespmem:$0x11000] =	vst v63  }
0xcd: {  	_ =	swait.ge [sflag:s17], $0x4000  }
0xce: {  	[sflag:s17] =	ssyncset.done $0x0  }
0xcf: {  	s4 =	rddreg [dreg:$0x10];
	[sflag:s17] =	ssyncadd.s32 $0xFFFFC000  }
0xd0: {  	[hbm4b:s4+s2] =	stream.linear.scatter [tilespmem:s11], [sflag:$0x18], $0x4000, $0x38;
	[tilespmem:$0x11000] =	vst v63  }
0xd1: {  	_ =	swait.ge [sflag:s8], $0x4000  }
0xd2: {  	[sflag:s8] =	ssyncset.done $0x0  }
0xd3: {  	s10 =	simm.s32 $0xF;
	[sflag:s8] =	ssyncadd.s32 $0xFFFFC000  }
0xd4: {  	_ =	swait.ge [sflag:s10], $0x80  }
0xd5: {  	[sflag:s10] =	ssyncset.done $0x0  }
0xd6: {  	s15 =	simm.s32 $0xF00;
	[sflag:s10] =	ssyncadd.s32 $0xFFFFFF80  }
0xd7: {  	[tilespmem:s11], [sflag:$0x14] =	stream.indirect.gather [hbm4b:s3+s5], $0x80, s15, s5, $0xb8;
	[tilespmem:$0x11000] =	vst v63  }
0xd8: {  	_ =	swait.ge [sflag:s16], $0x4000  }
0xd9: {  	[sflag:s16] =	ssyncset.done $0x0  }
0xda: {  	s29 =	simm.s32 $0xD000;
	s20 =	rddreg [dreg:$0x11];
	[sflag:s16] =	ssyncadd.s32 $0xFFFFC000  }
0xdb: {  	[hbm4b:s20+s2] =	stream.linear.scatter [tilespmem:s29], [sflag:$0x19], $0x4000, $0x38;
	[tilespmem:$0x11000] =	vst v63  }
0xdc: {  	_ =	swait.ge [sflag:s9], $0x4000  }
0xdd: {  	[sflag:s9] =	ssyncset.done $0x0  }
0xde: {  	s22 =	simm.s32 $0x10;
	[sflag:s9] =	ssyncadd.s32 $0xFFFFC000  }
0xdf: {  	_ =	swait.ge [sflag:s22], $0x80  }
0xe0: {  	[sflag:s22] =	ssyncset.done $0x0  }
0xe1: {  	s28 =	simm.s32 $0xF80;
	[sflag:s22] =	ssyncadd.s32 $0xFFFFFF80  }
0xe2: {  	[tilespmem:s29], [sflag:$0x15] =	stream.indirect.gather [hbm4b:s3+s5], $0x80, s28, s5, $0xb8;
	[tilespmem:$0x11000] =	vst v63  }
0xe3: {  	_ =	swait.ge [sflag:s19], $0x4000  }
0xe4: {  	[sflag:s19] =	ssyncset.done $0x0  }
0xe5: {  	s23 =	rddreg [dreg:$0x12];
	[sflag:s19] =	ssyncadd.s32 $0xFFFFC000  }
0xe6: {  	[hbm4b:s23+s2] =	stream.linear.scatter [tilespmem:s13], [sflag:$0x16], $0x4000, $0x38;
	[tilespmem:$0x11000] =	vst v63  }
0xe7: {  	_ =	swait.ge [sflag:s18], $0x4000  }
0xe8: {  	[sflag:s18] =	ssyncset.done $0x0  }
0xe9: {  	s24 =	rddreg [dreg:$0x13];
	[sflag:s18] =	ssyncadd.s32 $0xFFFFC000  }
0xea: {  	[hbm4b:s24+s2] =	stream.linear.scatter [tilespmem:s14], [sflag:$0x17], $0x4000, $0x38;
	[tilespmem:$0x11000] =	vst v63  }
0xeb: {  	_ =	swait.ge [sflag:s17], $0x4000  }
0xec: {  	[sflag:s17] =	ssyncset.done $0x0  }
0xed: {  	s25 =	rddreg [dreg:$0x14];
	[sflag:s17] =	ssyncadd.s32 $0xFFFFC000  }
0xee: {  	[hbm4b:s25+s2] =	stream.linear.scatter [tilespmem:s11], [sflag:$0x18], $0x4000, $0x38;
	[tilespmem:$0x11000] =	vst v63  }
0xef: {  	_ =	swait.ge [sflag:s16], $0x4000  }
0xf0: {  	[sflag:s16] =	ssyncset.done $0x0  }
0xf1: {  	s26 =	rddreg [dreg:$0x15];
	[sflag:s16] =	ssyncadd.s32 $0xFFFFC000  }
0xf2: {  	[hbm4b:s26+s2] =	stream.linear.scatter [tilespmem:s29], [sflag:$0x19], $0x4000, $0x38;
	[tilespmem:$0x11000] =	vst v63  }
0xf3: {  	s21 =	simm.s32 $0x800;
	s28 =	rddreg [dreg:$0x16]  }
0xf4: {  	[hbm4b:s28+s2] =	stream.linear.scatter [tilespmem:s21], [sflag:$0x11], $0x800, $0x38;
	[tilespmem:$0x11000] =	vst v63  }
0xf5: {  	_ =	swait.ge [sflag:s6], $0x4000  }
0xf6: {  	[sflag:s6] =	ssyncset.done $0x0  }
0xf7: {  	[sflag:s6] =	ssyncadd.s32 $0xFFFFC000  }
0xf8: {  	_ =	swait.ge [sflag:s7], $0x4000  }
0xf9: {  	[sflag:s7] =	ssyncset.done $0x0  }
0xfa: {  	[sflag:s7] =	ssyncadd.s32 $0xFFFFC000  }
0xfb: {  	_ =	swait.ge [sflag:s8], $0x4000  }
0xfc: {  	[sflag:s8] =	ssyncset.done $0x0  }
0xfd: {  	p1 =	sne.s32 s12, $0x1;
	[sflag:s8] =	ssyncadd.s32 $0xFFFFC000  }
.Ltmp1:
0xfe: {  	_ =	swait.ge [sflag:s9], $0x4000;
	(pc) =	sbr.rel @!p1 .LBB2_7-.Ltmp1, $4  }
0xff: {  	[sflag:s9] =	ssyncset.done $0x0  }
0x100: {  	p0 =	por $0x1, $0x1;
	s31 =	simm.s32 $0x11;
	[sflag:s9] =	ssyncadd.s32 $0xFFFFC000  }
0x101: {  	s15 =	simm.s32 $0x800;
	s28 =	sadd.s32 $0xFFFFFFFF, s12;
	_ =	swait.ge [sflag:s31], $0x800  }
0x102: {  	s21 =	simm.s32 $0x11;
	s1 =	rddreg [dreg:$0x5];
	[sflag:s31] =	ssyncset.done $0x0  }
0x103: {  	s22 =	simm.s32 $0x880;
	s10 =	simm.s32 $0xA80  }
0x104: {  	s23 =	simm.s32 $0xB00;
	s11 =	simm.s32 $0xB80;
	s25 =	simm.s32 $0xC00  }
0x105: {  	s20 =	simm.s32 $0xC80;
	s24 =	simm.s32 $0xD00;
	s12 =	simm.s32 $0xD80  }
0x106: {  	s31 =	simm.s32 $0xE00;
	s26 =	simm.s32 $0xE80;
	s4 =	simm.s32 $0xF00  }
.LBB2_4:
0x107: {  	[sflag:s21] =	ssyncadd.s32 $0xFFFFF800;
	s0 =	simm.s32 $0x1A  }
0x108: {  	[tilespmem:s2], [sflag:$0x1A] =	stream.linear.gather [hbm4b:s1+s2], $0x800, $0x38;
	[tilespmem:$0x11000] =	vst v63  }
0x109: {  	_ =	swait.ge [sflag:s0], $0x800  }
0x10a: {  	[sflag:s0] =	ssyncset.done $0x0  }
0x10b: {  	[sflag:s0] =	ssyncadd.s32 $0xFFFFF800  }
0x10c: {  	[tilespmem:s15], [sflag:$0x1] =	stream.indirect.gather [hbm4b:s30+s5], $0x1, s2, s5, $0xb8;
	[tilespmem:$0x11000] =	vst v63  }
0x10d: {  	s21 =	rddreg [dreg:$0x17]  }
0x10e: {  	[tilespmem:s22], [sflag:$0x2] =	stream.indirect.gather [hbm4b:s30+s5], $0x1, s5, s5, $0xb8;
	[tilespmem:$0x11000] =	vst v63  }
0x10f: {  	s29 =	simm.s32 $0x900;
	s0 =	rddreg [dreg:$0x18]  }
0x110: {  	[tilespmem:s29], [sflag:$0x3] =	stream.indirect.gather [hbm4b:s30+s5], $0x1, s21, s5, $0xb8;
	[tilespmem:$0x11000] =	vst v63  }
0x111: {  	s13 =	simm.s32 $0x980;
	s15 =	rddreg [dreg:$0x1a]  }
0x112: {  	[tilespmem:s13], [sflag:$0x4] =	stream.indirect.gather [hbm4b:s30+s5], $0x1, s0, s5, $0xb8;
	[tilespmem:$0x11000] =	vst v63  }
0x113: {  	s21 =	rddreg [dreg:$0x19];
	s0 =	simm.s32 $0xA00  }
0x114: {  	[tilespmem:s0], [sflag:$0x5] =	stream.indirect.gather [hbm4b:s30+s5], $0x1, s21, s5, $0xb8;
	[tilespmem:$0x11000] =	vst v63  }
0x115: {  	s21 =	rddreg [dreg:$0x1b]  }
0x116: {  	[tilespmem:s10], [sflag:$0x6] =	stream.indirect.gather [hbm4b:s30+s5], $0x1, s15, s5, $0xb8;
	[tilespmem:$0x11000] =	vst v63  }
0x117: {  	s15 =	rddreg [dreg:$0x1c]  }
0x118: {  	[tilespmem:s23], [sflag:$0x7] =	stream.indirect.gather [hbm4b:s30+s5], $0x1, s21, s5, $0xb8;
	[tilespmem:$0x11000] =	vst v63  }
0x119: {  	s21 =	rddreg [dreg:$0x1d]  }
0x11a: {  	[tilespmem:s11], [sflag:$0x8] =	stream.indirect.gather [hbm4b:s30+s5], $0x1, s15, s5, $0xb8;
	[tilespmem:$0x11000] =	vst v63  }
0x11b: {  	s15 =	rddreg [dreg:$0x1e]  }
0x11c: {  	[tilespmem:s25], [sflag:$0x9] =	stream.indirect.gather [hbm4b:s30+s5], $0x1, s21, s5, $0xb8;
	[tilespmem:$0x11000] =	vst v63  }
0x11d: {  	s21 =	rddreg [dreg:$0x1f]  }
0x11e: {  	[tilespmem:s20], [sflag:$0xA] =	stream.indirect.gather [hbm4b:s30+s5], $0x1, s15, s5, $0xb8;
	[tilespmem:$0x11000] =	vst v63  }
0x11f: {  	s15 =	sld [smem:$0x7F9]  }
0x120: {  	[tilespmem:s24], [sflag:$0xB] =	stream.indirect.gather [hbm4b:s30+s5], $0x1, s21, s5, $0xb8;
	[tilespmem:$0x11000] =	vst v63  }
0x121: {  	s21 =	sld [smem:$0x7FA]  }
0x122: {  	[tilespmem:s12], [sflag:$0xC] =	stream.indirect.gather [hbm4b:s30+s5], $0x1, s15, s5, $0xb8;
	[tilespmem:$0x11000] =	vst v63  }
0x123: {  	s15 =	sld [smem:$0x7FB]  }
0x124: {  	[tilespmem:s31], [sflag:$0xD] =	stream.indirect.gather [hbm4b:s30+s5], $0x1, s21, s5, $0xb8;
	[tilespmem:$0x11000] =	vst v63  }
0x125: {  	s21 =	sld [smem:$0x7FC]  }
0x126: {  	[tilespmem:s26], [sflag:$0xE] =	stream.indirect.gather [hbm4b:s30+s5], $0x1, s15, s5, $0xb8;
	[tilespmem:$0x11000] =	vst v63  }
0x127: {  	s15 =	sld [smem:$0x7FD]  }
0x128: {  	[tilespmem:s4], [sflag:$0xF] =	stream.indirect.gather [hbm4b:s30+s5], $0x1, s21, s5, $0xb8;
	[tilespmem:$0x11000] =	vst v63  }
0x129: {  	s21 =	simm.s32 $0xF80  }
0x12a: {  	[tilespmem:s21], [sflag:$0x10] =	stream.indirect.gather [hbm4b:s30+s5], $0x1, s15, s5, $0xb8;
	[tilespmem:$0x11000] =	vst v63  }
0x12b: {  	s15 =	simm.s32 $0x1  }
0x12c: {  	_ =	swait.ge [sflag:s15], $0x80  }
0x12d: {  	[sflag:s15] =	ssyncset.done $0x0  }
0x12e: {  	s14 =	simm.s32 $0x1000;
	[sflag:s15] =	ssyncadd.s32 $0xFFFFFF80;
	s15 =	simm.s32 $0x800  }
0x12f: {  	[tilespmem:s14], [sflag:$0x12] =	stream.indirect.gather [hbm4b:s3+s5], $0x80, s15, s5, $0xb8;
	[tilespmem:$0x11000] =	vst v63  }
0x130: {  	s15 =	simm.s32 $0x2  }
0x131: {  	_ =	swait.ge [sflag:s15], $0x80  }
0x132: {  	[sflag:s15] =	ssyncset.done $0x0  }
0x133: {  	s1 =	simm.s32 $0x3;
	s14 =	simm.s32 $0x5000;
	[sflag:s15] =	ssyncadd.s32 $0xFFFFFF80  }
0x134: {  	[tilespmem:s14], [sflag:$0x13] =	stream.indirect.gather [hbm4b:s3+s5], $0x80, s22, s5, $0xb8;
	[tilespmem:$0x11000] =	vst v63  }
0x135: {  	_ =	swait.ge [sflag:s1], $0x80  }
0x136: {  	[sflag:s1] =	ssyncset.done $0x0  }
0x137: {  	s15 =	simm.s32 $0x9000;
	[sflag:s1] =	ssyncadd.s32 $0xFFFFFF80;
	s1 =	simm.s32 $0x4  }
0x138: {  	[tilespmem:s15], [sflag:$0x14] =	stream.indirect.gather [hbm4b:s3+s5], $0x80, s29, s5, $0xb8;
	[tilespmem:$0x11000] =	vst v63  }
0x139: {  	_ =	swait.ge [sflag:s1], $0x80  }
0x13a: {  	[sflag:s1] =	ssyncset.done $0x0  }
0x13b: {  	s29 =	simm.s32 $0xD000;
	[sflag:s1] =	ssyncadd.s32 $0xFFFFFF80  }
0x13c: {  	[tilespmem:s29], [sflag:$0x15] =	stream.indirect.gather [hbm4b:s3+s5], $0x80, s13, s5, $0xb8;
	[tilespmem:$0x11000] =	vst v63  }
0x13d: {  	_ =	swait.ge [sflag:s19], $0x4000  }
0x13e: {  	[sflag:s19] =	ssyncset.done $0x0  }
0x13f: {  	s13 =	simm.s32 $0x1000;
	s1 =	rddreg [dreg:$0x6];
	[sflag:s19] =	ssyncadd.s32 $0xFFFFC000  }
0x140: {  	[hbm4b:s1+s2] =	stream.linear.scatter [tilespmem:s13], [sflag:$0x16], $0x4000, $0x38;
	[tilespmem:$0x11000] =	vst v63  }
0x141: {  	_ =	swait.ge [sflag:s6], $0x4000  }
0x142: {  	[sflag:s6] =	ssyncset.done $0x0  }
0x143: {  	s1 =	simm.s32 $0x5;
	[sflag:s6] =	ssyncadd.s32 $0xFFFFC000  }
0x144: {  	_ =	swait.ge [sflag:s1], $0x80  }
0x145: {  	[sflag:s1] =	ssyncset.done $0x0  }
0x146: {  	[sflag:s1] =	ssyncadd.s32 $0xFFFFFF80  }
0x147: {  	[tilespmem:s13], [sflag:$0x12] =	stream.indirect.gather [hbm4b:s3+s5], $0x80, s0, s5, $0xb8;
	[tilespmem:$0x11000] =	vst v63  }
0x148: {  	_ =	swait.ge [sflag:s18], $0x4000  }
0x149: {  	[sflag:s18] =	ssyncset.done $0x0  }
0x14a: {  	s0 =	rddreg [dreg:$0x7];
	[sflag:s18] =	ssyncadd.s32 $0xFFFFC000  }
0x14b: {  	[hbm4b:s0+s2] =	stream.linear.scatter [tilespmem:s14], [sflag:$0x17], $0x4000, $0x38;
	[tilespmem:$0x11000] =	vst v63  }
0x14c: {  	_ =	swait.ge [sflag:s7], $0x4000  }
0x14d: {  	[sflag:s7] =	ssyncset.done $0x0  }
0x14e: {  	s0 =	simm.s32 $0x6;
	[sflag:s7] =	ssyncadd.s32 $0xFFFFC000  }
0x14f: {  	_ =	swait.ge [sflag:s0], $0x80  }
0x150: {  	[sflag:s0] =	ssyncset.done $0x0  }
0x151: {  	[sflag:s0] =	ssyncadd.s32 $0xFFFFFF80  }
0x152: {  	[tilespmem:s14], [sflag:$0x13] =	stream.indirect.gather [hbm4b:s3+s5], $0x80, s10, s5, $0xb8;
	[tilespmem:$0x11000] =	vst v63  }
0x153: {  	_ =	swait.ge [sflag:s17], $0x4000  }
0x154: {  	[sflag:s17] =	ssyncset.done $0x0  }
0x155: {  	s0 =	rddreg [dreg:$0x8];
	[sflag:s17] =	ssyncadd.s32 $0xFFFFC000  }
0x156: {  	[hbm4b:s0+s2] =	stream.linear.scatter [tilespmem:s15], [sflag:$0x18], $0x4000, $0x38;
	[tilespmem:$0x11000] =	vst v63  }
0x157: {  	_ =	swait.ge [sflag:s8], $0x4000  }
0x158: {  	[sflag:s8] =	ssyncset.done $0x0  }
0x159: {  	s0 =	simm.s32 $0x7;
	[sflag:s8] =	ssyncadd.s32 $0xFFFFC000  }
0x15a: {  	_ =	swait.ge [sflag:s0], $0x80  }
0x15b: {  	[sflag:s0] =	ssyncset.done $0x0  }
0x15c: {  	[sflag:s0] =	ssyncadd.s32 $0xFFFFFF80  }
0x15d: {  	[tilespmem:s15], [sflag:$0x14] =	stream.indirect.gather [hbm4b:s3+s5], $0x80, s23, s5, $0xb8;
	[tilespmem:$0x11000] =	vst v63  }
0x15e: {  	_ =	swait.ge [sflag:s16], $0x4000  }
0x15f: {  	[sflag:s16] =	ssyncset.done $0x0  }
0x160: {  	s0 =	rddreg [dreg:$0x9];
	[sflag:s16] =	ssyncadd.s32 $0xFFFFC000  }
0x161: {  	[hbm4b:s0+s2] =	stream.linear.scatter [tilespmem:s29], [sflag:$0x19], $0x4000, $0x38;
	[tilespmem:$0x11000] =	vst v63  }
0x162: {  	_ =	swait.ge [sflag:s9], $0x4000  }
0x163: {  	[sflag:s9] =	ssyncset.done $0x0  }
0x164: {  	s0 =	simm.s32 $0x8;
	[sflag:s9] =	ssyncadd.s32 $0xFFFFC000  }
0x165: {  	_ =	swait.ge [sflag:s0], $0x80  }
0x166: {  	[sflag:s0] =	ssyncset.done $0x0  }
0x167: {  	[sflag:s0] =	ssyncadd.s32 $0xFFFFFF80  }
0x168: {  	[tilespmem:s29], [sflag:$0x15] =	stream.indirect.gather [hbm4b:s3+s5], $0x80, s11, s5, $0xb8;
	[tilespmem:$0x11000] =	vst v63  }
0x169: {  	_ =	swait.ge [sflag:s19], $0x4000  }
0x16a: {  	[sflag:s19] =	ssyncset.done $0x0  }
0x16b: {  	s0 =	rddreg [dreg:$0xa];
	[sflag:s19] =	ssyncadd.s32 $0xFFFFC000  }
0x16c: {  	[hbm4b:s0+s2] =	stream.linear.scatter [tilespmem:s13], [sflag:$0x16], $0x4000, $0x38;
	[tilespmem:$0x11000] =	vst v63  }
0x16d: {  	_ =	swait.ge [sflag:s6], $0x4000  }
0x16e: {  	[sflag:s6] =	ssyncset.done $0x0  }
0x16f: {  	s0 =	simm.s32 $0x9;
	[sflag:s6] =	ssyncadd.s32 $0xFFFFC000  }
0x170: {  	_ =	swait.ge [sflag:s0], $0x80  }
0x171: {  	[sflag:s0] =	ssyncset.done $0x0  }
0x172: {  	[sflag:s0] =	ssyncadd.s32 $0xFFFFFF80  }
0x173: {  	[tilespmem:s13], [sflag:$0x12] =	stream.indirect.gather [hbm4b:s3+s5], $0x80, s25, s5, $0xb8;
	[tilespmem:$0x11000] =	vst v63  }
0x174: {  	_ =	swait.ge [sflag:s18], $0x4000  }
0x175: {  	[sflag:s18] =	ssyncset.done $0x0  }
0x176: {  	s0 =	rddreg [dreg:$0xb];
	[sflag:s18] =	ssyncadd.s32 $0xFFFFC000  }
0x177: {  	[hbm4b:s0+s2] =	stream.linear.scatter [tilespmem:s14], [sflag:$0x17], $0x4000, $0x38;
	[tilespmem:$0x11000] =	vst v63  }
0x178: {  	_ =	swait.ge [sflag:s7], $0x4000  }
0x179: {  	[sflag:s7] =	ssyncset.done $0x0  }
0x17a: {  	s1 =	simm.s32 $0xA;
	[sflag:s7] =	ssyncadd.s32 $0xFFFFC000  }
0x17b: {  	_ =	swait.ge [sflag:s1], $0x80  }
0x17c: {  	[sflag:s1] =	ssyncset.done $0x0  }
0x17d: {  	[sflag:s1] =	ssyncadd.s32 $0xFFFFFF80  }
0x17e: {  	[tilespmem:s14], [sflag:$0x13] =	stream.indirect.gather [hbm4b:s3+s5], $0x80, s20, s5, $0xb8;
	[tilespmem:$0x11000] =	vst v63  }
0x17f: {  	_ =	swait.ge [sflag:s17], $0x4000  }
0x180: {  	[sflag:s17] =	ssyncset.done $0x0  }
0x181: {  	s0 =	rddreg [dreg:$0xc];
	[sflag:s17] =	ssyncadd.s32 $0xFFFFC000  }
0x182: {  	[hbm4b:s0+s2] =	stream.linear.scatter [tilespmem:s15], [sflag:$0x18], $0x4000, $0x38;
	[tilespmem:$0x11000] =	vst v63  }
0x183: {  	_ =	swait.ge [sflag:s8], $0x4000  }
0x184: {  	[sflag:s8] =	ssyncset.done $0x0  }
0x185: {  	s1 =	simm.s32 $0xB;
	[sflag:s8] =	ssyncadd.s32 $0xFFFFC000  }
0x186: {  	_ =	swait.ge [sflag:s1], $0x80  }
0x187: {  	[sflag:s1] =	ssyncset.done $0x0  }
0x188: {  	[sflag:s1] =	ssyncadd.s32 $0xFFFFFF80  }
0x189: {  	[tilespmem:s15], [sflag:$0x14] =	stream.indirect.gather [hbm4b:s3+s5], $0x80, s24, s5, $0xb8;
	[tilespmem:$0x11000] =	vst v63  }
0x18a: {  	_ =	swait.ge [sflag:s16], $0x4000  }
0x18b: {  	[sflag:s16] =	ssyncset.done $0x0  }
0x18c: {  	s0 =	rddreg [dreg:$0xd];
	[sflag:s16] =	ssyncadd.s32 $0xFFFFC000  }
0x18d: {  	[hbm4b:s0+s2] =	stream.linear.scatter [tilespmem:s29], [sflag:$0x19], $0x4000, $0x38;
	[tilespmem:$0x11000] =	vst v63  }
0x18e: {  	_ =	swait.ge [sflag:s9], $0x4000  }
0x18f: {  	[sflag:s9] =	ssyncset.done $0x0  }
0x190: {  	s1 =	simm.s32 $0xC;
	[sflag:s9] =	ssyncadd.s32 $0xFFFFC000  }
0x191: {  	_ =	swait.ge [sflag:s1], $0x80  }
0x192: {  	[sflag:s1] =	ssyncset.done $0x0  }
0x193: {  	[sflag:s1] =	ssyncadd.s32 $0xFFFFFF80  }
0x194: {  	[tilespmem:s29], [sflag:$0x15] =	stream.indirect.gather [hbm4b:s3+s5], $0x80, s12, s5, $0xb8;
	[tilespmem:$0x11000] =	vst v63  }
0x195: {  	_ =	swait.ge [sflag:s19], $0x4000  }
0x196: {  	[sflag:s19] =	ssyncset.done $0x0  }
0x197: {  	s0 =	rddreg [dreg:$0xe];
	[sflag:s19] =	ssyncadd.s32 $0xFFFFC000  }
0x198: {  	[hbm4b:s0+s2] =	stream.linear.scatter [tilespmem:s13], [sflag:$0x16], $0x4000, $0x38;
	[tilespmem:$0x11000] =	vst v63  }
0x199: {  	_ =	swait.ge [sflag:s6], $0x4000  }
0x19a: {  	[sflag:s6] =	ssyncset.done $0x0  }
0x19b: {  	s1 =	simm.s32 $0xD;
	[sflag:s6] =	ssyncadd.s32 $0xFFFFC000  }
0x19c: {  	_ =	swait.ge [sflag:s1], $0x80  }
0x19d: {  	[sflag:s1] =	ssyncset.done $0x0  }
0x19e: {  	[sflag:s1] =	ssyncadd.s32 $0xFFFFFF80  }
0x19f: {  	[tilespmem:s13], [sflag:$0x12] =	stream.indirect.gather [hbm4b:s3+s5], $0x80, s31, s5, $0xb8;
	[tilespmem:$0x11000] =	vst v63  }
0x1a0: {  	_ =	swait.ge [sflag:s18], $0x4000  }
0x1a1: {  	[sflag:s18] =	ssyncset.done $0x0  }
0x1a2: {  	s0 =	rddreg [dreg:$0xf];
	[sflag:s18] =	ssyncadd.s32 $0xFFFFC000  }
0x1a3: {  	[hbm4b:s0+s2] =	stream.linear.scatter [tilespmem:s14], [sflag:$0x17], $0x4000, $0x38;
	[tilespmem:$0x11000] =	vst v63  }
0x1a4: {  	_ =	swait.ge [sflag:s7], $0x4000  }
0x1a5: {  	[sflag:s7] =	ssyncset.done $0x0  }
0x1a6: {  	s0 =	simm.s32 $0xE;
	[sflag:s7] =	ssyncadd.s32 $0xFFFFC000  }
0x1a7: {  	_ =	swait.ge [sflag:s0], $0x80  }
0x1a8: {  	[sflag:s0] =	ssyncset.done $0x0  }
0x1a9: {  	[sflag:s0] =	ssyncadd.s32 $0xFFFFFF80  }
0x1aa: {  	[tilespmem:s14], [sflag:$0x13] =	stream.indirect.gather [hbm4b:s3+s5], $0x80, s26, s5, $0xb8;
	[tilespmem:$0x11000] =	vst v63  }
0x1ab: {  	_ =	swait.ge [sflag:s17], $0x4000  }
0x1ac: {  	[sflag:s17] =	ssyncset.done $0x0  }
0x1ad: {  	s0 =	rddreg [dreg:$0x10];
	[sflag:s17] =	ssyncadd.s32 $0xFFFFC000  }
0x1ae: {  	[hbm4b:s0+s2] =	stream.linear.scatter [tilespmem:s15], [sflag:$0x18], $0x4000, $0x38;
	[tilespmem:$0x11000] =	vst v63  }
0x1af: {  	_ =	swait.ge [sflag:s8], $0x4000  }
0x1b0: {  	[sflag:s8] =	ssyncset.done $0x0  }
0x1b1: {  	s0 =	simm.s32 $0xF;
	[sflag:s8] =	ssyncadd.s32 $0xFFFFC000  }
0x1b2: {  	_ =	swait.ge [sflag:s0], $0x80  }
0x1b3: {  	[sflag:s0] =	ssyncset.done $0x0  }
0x1b4: {  	[sflag:s0] =	ssyncadd.s32 $0xFFFFFF80  }
0x1b5: {  	[tilespmem:s15], [sflag:$0x14] =	stream.indirect.gather [hbm4b:s3+s5], $0x80, s4, s5, $0xb8;
	[tilespmem:$0x11000] =	vst v63  }
0x1b6: {  	_ =	swait.ge [sflag:s16], $0x4000  }
0x1b7: {  	[sflag:s16] =	ssyncset.done $0x0  }
0x1b8: {  	s0 =	rddreg [dreg:$0x11];
	[sflag:s16] =	ssyncadd.s32 $0xFFFFC000  }
0x1b9: {  	[hbm4b:s0+s2] =	stream.linear.scatter [tilespmem:s29], [sflag:$0x19], $0x4000, $0x38;
	[tilespmem:$0x11000] =	vst v63  }
0x1ba: {  	_ =	swait.ge [sflag:s9], $0x4000  }
0x1bb: {  	[sflag:s9] =	ssyncset.done $0x0  }
0x1bc: {  	s1 =	simm.s32 $0x10;
	[sflag:s9] =	ssyncadd.s32 $0xFFFFC000  }
0x1bd: {  	_ =	swait.ge [sflag:s1], $0x80  }
0x1be: {  	[sflag:s1] =	ssyncset.done $0x0  }
0x1bf: {  	[sflag:s1] =	ssyncadd.s32 $0xFFFFFF80  }
0x1c0: {  	[tilespmem:s29], [sflag:$0x15] =	stream.indirect.gather [hbm4b:s3+s5], $0x80, s21, s5, $0xb8;
	[tilespmem:$0x11000] =	vst v63  }
0x1c1: {  	_ =	swait.ge [sflag:s19], $0x4000  }
0x1c2: {  	[sflag:s19] =	ssyncset.done $0x0  }
0x1c3: {  	s0 =	rddreg [dreg:$0x12];
	[sflag:s19] =	ssyncadd.s32 $0xFFFFC000  }
0x1c4: {  	[hbm4b:s0+s2] =	stream.linear.scatter [tilespmem:s13], [sflag:$0x16], $0x4000, $0x38;
	[tilespmem:$0x11000] =	vst v63  }
0x1c5: {  	_ =	swait.ge [sflag:s18], $0x4000  }
0x1c6: {  	[sflag:s18] =	ssyncset.done $0x0  }
0x1c7: {  	s21 =	rddreg [dreg:$0x13];
	[sflag:s18] =	ssyncadd.s32 $0xFFFFC000  }
0x1c8: {  	[hbm4b:s21+s2] =	stream.linear.scatter [tilespmem:s14], [sflag:$0x17], $0x4000, $0x38;
	[tilespmem:$0x11000] =	vst v63  }
0x1c9: {  	_ =	swait.ge [sflag:s17], $0x4000  }
0x1ca: {  	[sflag:s17] =	ssyncset.done $0x0  }
0x1cb: {  	s0 =	rddreg [dreg:$0x14];
	[sflag:s17] =	ssyncadd.s32 $0xFFFFC000  }
0x1cc: {  	[hbm4b:s0+s2] =	stream.linear.scatter [tilespmem:s15], [sflag:$0x18], $0x4000, $0x38;
	[tilespmem:$0x11000] =	vst v63  }
0x1cd: {  	_ =	swait.ge [sflag:s16], $0x4000  }
0x1ce: {  	[sflag:s16] =	ssyncset.done $0x0  }
0x1cf: {  	s21 =	rddreg [dreg:$0x15];
	[sflag:s16] =	ssyncadd.s32 $0xFFFFC000  }
0x1d0: {  	[hbm4b:s21+s2] =	stream.linear.scatter [tilespmem:s29], [sflag:$0x19], $0x4000, $0x38;
	[tilespmem:$0x11000] =	vst v63  }
0x1d1: {  	s0 =	rddreg [dreg:$0x16];
	s21 =	simm.s32 $0x800  }
0x1d2: {  	[hbm4b:s0+s2] =	stream.linear.scatter [tilespmem:s21], [sflag:$0x11], $0x800, $0x38;
	[tilespmem:$0x11000] =	vst v63  }
0x1d3: {  	_ =	swait.ge [sflag:s6], $0x4000  }
0x1d4: {  	[sflag:s6] =	ssyncset.done $0x0  }
0x1d5: {  	[sflag:s6] =	ssyncadd.s32 $0xFFFFC000  }
0x1d6: {  	_ =	swait.ge [sflag:s7], $0x4000  }
0x1d7: {  	[sflag:s7] =	ssyncset.done $0x0  }
0x1d8: {  	[sflag:s7] =	ssyncadd.s32 $0xFFFFC000  }
0x1d9: {  	_ =	swait.ge [sflag:s8], $0x4000  }
0x1da: {  	[sflag:s8] =	ssyncset.done $0x0  }
0x1db: {  	p1 =	sne.s32 s28, $0x1;
	[sflag:s8] =	ssyncadd.s32 $0xFFFFC000  }
.Ltmp2:
0x1dc: {  	_ =	swait.ge [sflag:s9], $0x4000;
	(pc) =	sbr.rel @p1 .LBB2_4-.Ltmp2, $4  }
0x1dd: {  	[sflag:s9] =	ssyncset.done $0x0  }
0x1de: {  	s21 =	simm.s32 $0x11;
	[sflag:s9] =	ssyncadd.s32 $0xFFFFC000  }
0x1df: {  	s28 =	sadd.s32 $0xFFFFFFFF, s28;
	_ =	swait.ge [sflag:s21], $0x800  }
0x1e0: {  	s15 =	simm.s32 $0x800;
	s1 =	rddreg [dreg:$0x5];
	[sflag:s21] =	ssyncset.done $0x0  }
0x1e1: {  	s24 =	simm.s32 $0xB80;
	s4 =	simm.s32 $0xC;
	s15 =	simm.s32 $0xA80  }
0x1e2: {  	s23 =	simm.s32 $0xA00;
	s26 =	simm.s32 $0x980;
	s28 =	simm.s32 $0x1A  }
.LBB2_6:
0x1e3: {  	[sflag:s21] =	ssyncadd.s32 @p0 $0xFFFFF800  }
0x1e4: {  	[tilespmem:s2], [sflag:$0x1A] =	stream.linear.gather [hbm4b:s1+s2], $0x800, $0x38;
	[tilespmem:$0x11000] =	vst v63  }
0x1e5: {  	_ =	swait.ge [sflag:s28], $0x800  }
0x1e6: {  	[sflag:s28] =	ssyncset.done $0x0  }
0x1e7: {  	s0 =	simm.s32 $0x800;
	[sflag:s28] =	ssyncadd.s32 $0xFFFFF800  }
0x1e8: {  	[tilespmem:s0], [sflag:$0x1] =	stream.indirect.gather [hbm4b:s30+s5], $0x1, s2, s5, $0xb8;
	[tilespmem:$0x11000] =	vst v63  }
0x1e9: {  	s22 =	rddreg [dreg:$0x17];
	s28 =	simm.s32 $0x880  }
0x1ea: {  	[tilespmem:s28], [sflag:$0x2] =	stream.indirect.gather [hbm4b:s30+s5], $0x1, s5, s5, $0xb8;
	[tilespmem:$0x11000] =	vst v63  }
0x1eb: {  	s21 =	simm.s32 $0x900;
	s25 =	rddreg [dreg:$0x18]  }
0x1ec: {  	[tilespmem:s21], [sflag:$0x3] =	stream.indirect.gather [hbm4b:s30+s5], $0x1, s22, s5, $0xb8;
	[tilespmem:$0x11000] =	vst v63  }
0x1ed: {  	s31 =	rddreg [dreg:$0x19]  }
0x1ee: {  	[tilespmem:s26], [sflag:$0x4] =	stream.indirect.gather [hbm4b:s30+s5], $0x1, s25, s5, $0xb8;
	[tilespmem:$0x11000] =	vst v63  }
0x1ef: {  	s10 =	rddreg [dreg:$0x1a]  }
0x1f0: {  	[tilespmem:s23], [sflag:$0x5] =	stream.indirect.gather [hbm4b:s30+s5], $0x1, s31, s5, $0xb8;
	[tilespmem:$0x11000] =	vst v63  }
0x1f1: {  	s12 =	rddreg [dreg:$0x1b]  }
0x1f2: {  	[tilespmem:s15], [sflag:$0x6] =	stream.indirect.gather [hbm4b:s30+s5], $0x1, s10, s5, $0xb8;
	[tilespmem:$0x11000] =	vst v63  }
0x1f3: {  	s20 =	simm.s32 $0xB00;
	s22 =	rddreg [dreg:$0x1d]  }
0x1f4: {  	[tilespmem:s20], [sflag:$0x7] =	stream.indirect.gather [hbm4b:s30+s5], $0x1, s12, s5, $0xb8;
	[tilespmem:$0x11000] =	vst v63  }
0x1f5: {  	s15 =	rddreg [dreg:$0x1c]  }
0x1f6: {  	[tilespmem:s24], [sflag:$0x8] =	stream.indirect.gather [hbm4b:s30+s5], $0x1, s15, s5, $0xb8;
	[tilespmem:$0x11000] =	vst v63  }
0x1f7: {  	s31 =	rddreg [dreg:$0x1e];
	s15 =	simm.s32 $0xC00  }
0x1f8: {  	[tilespmem:s15], [sflag:$0x9] =	stream.indirect.gather [hbm4b:s30+s5], $0x1, s22, s5, $0xb8;
	[tilespmem:$0x11000] =	vst v63  }
0x1f9: {  	s10 =	rddreg [dreg:$0x1f];
	s22 =	simm.s32 $0xC80  }
0x1fa: {  	[tilespmem:s22], [sflag:$0xA] =	stream.indirect.gather [hbm4b:s30+s5], $0x1, s31, s5, $0xb8;
	[tilespmem:$0x11000] =	vst v63  }
0x1fb: {  	s12 =	sld [smem:$0x7F9];
	s31 =	simm.s32 $0xD00  }
0x1fc: {  	[tilespmem:s31], [sflag:$0xB] =	stream.indirect.gather [hbm4b:s30+s5], $0x1, s10, s5, $0xb8;
	[tilespmem:$0x11000] =	vst v63  }
0x1fd: {  	s0 =	sld [smem:$0x7FA];
	s24 =	simm.s32 $0xD80  }
0x1fe: {  	[tilespmem:s24], [sflag:$0xC] =	stream.indirect.gather [hbm4b:s30+s5], $0x1, s12, s5, $0xb8;
	[tilespmem:$0x11000] =	vst v63  }
0x1ff: {  	s1 =	sld [smem:$0x7FB];
	s12 =	simm.s32 $0xE00  }
0x200: {  	[tilespmem:s12], [sflag:$0xD] =	stream.indirect.gather [hbm4b:s30+s5], $0x1, s0, s5, $0xb8;
	[tilespmem:$0x11000] =	vst v63  }
0x201: {  	s0 =	sld [smem:$0x7FC];
	s12 =	simm.s32 $0xE80  }
0x202: {  	[tilespmem:s12], [sflag:$0xE] =	stream.indirect.gather [hbm4b:s30+s5], $0x1, s1, s5, $0xb8;
	[tilespmem:$0x11000] =	vst v63  }
0x203: {  	s1 =	sld [smem:$0x7FD];
	s12 =	simm.s32 $0xF00  }
0x204: {  	[tilespmem:s12], [sflag:$0xF] =	stream.indirect.gather [hbm4b:s30+s5], $0x1, s0, s5, $0xb8;
	[tilespmem:$0x11000] =	vst v63  }
0x205: {  	s0 =	simm.s32 $0xF80  }
0x206: {  	[tilespmem:s0], [sflag:$0x10] =	stream.indirect.gather [hbm4b:s30+s5], $0x1, s1, s5, $0xb8;
	[tilespmem:$0x11000] =	vst v63  }
0x207: {  	s1 =	simm.s32 $0x1  }
0x208: {  	_ =	swait.ge [sflag:s1], $0x80  }
0x209: {  	[sflag:s1] =	ssyncset.done $0x0  }
0x20a: {  	s11 =	simm.s32 $0x800;
	[sflag:s1] =	ssyncadd.s32 $0xFFFFFF80;
	s1 =	simm.s32 $0x2  }
0x20b: {  	[tilespmem:s13], [sflag:$0x12] =	stream.indirect.gather [hbm4b:s3+s5], $0x80, s11, s5, $0xb8;
	[tilespmem:$0x11000] =	vst v63  }
0x20c: {  	_ =	swait.ge [sflag:s1], $0x80  }
0x20d: {  	[sflag:s1] =	ssyncset.done $0x0  }
0x20e: {  	[sflag:s1] =	ssyncadd.s32 $0xFFFFFF80;
	s1 =	simm.s32 $0x3  }
0x20f: {  	[tilespmem:s14], [sflag:$0x13] =	stream.indirect.gather [hbm4b:s3+s5], $0x80, s28, s5, $0xb8;
	[tilespmem:$0x11000] =	vst v63  }
0x210: {  	_ =	swait.ge [sflag:s1], $0x80  }
0x211: {  	[sflag:s1] =	ssyncset.done $0x0  }
0x212: {  	[sflag:s1] =	ssyncadd.s32 $0xFFFFFF80;
	s1 =	simm.s32 $0x9000  }
0x213: {  	[tilespmem:s1], [sflag:$0x14] =	stream.indirect.gather [hbm4b:s3+s5], $0x80, s21, s5, $0xb8;
	[tilespmem:$0x11000] =	vst v63  }
0x214: {  	s21 =	simm.s32 $0x4  }
0x215: {  	_ =	swait.ge [sflag:s21], $0x80  }
0x216: {  	[sflag:s21] =	ssyncset.done $0x0  }
0x217: {  	[sflag:s21] =	ssyncadd.s32 $0xFFFFFF80  }
0x218: {  	[tilespmem:s29], [sflag:$0x15] =	stream.indirect.gather [hbm4b:s3+s5], $0x80, s26, s5, $0xb8;
	[tilespmem:$0x11000] =	vst v63  }
0x219: {  	_ =	swait.ge [sflag:s19], $0x4000  }
0x21a: {  	[sflag:s19] =	ssyncset.done $0x0  }
0x21b: {  	s28 =	rddreg [dreg:$0x6];
	[sflag:s19] =	ssyncadd.s32 $0xFFFFC000  }
0x21c: {  	[hbm4b:s28+s2] =	stream.linear.scatter [tilespmem:s13], [sflag:$0x16], $0x4000, $0x38;
	[tilespmem:$0x11000] =	vst v63  }
0x21d: {  	_ =	swait.ge [sflag:s6], $0x4000  }
0x21e: {  	[sflag:s6] =	ssyncset.done $0x0  }
0x21f: {  	s21 =	simm.s32 $0x5;
	[sflag:s6] =	ssyncadd.s32 $0xFFFFC000  }
0x220: {  	_ =	swait.ge [sflag:s21], $0x80  }
0x221: {  	[sflag:s21] =	ssyncset.done $0x0  }
0x222: {  	[sflag:s21] =	ssyncadd.s32 $0xFFFFFF80  }
0x223: {  	[tilespmem:s13], [sflag:$0x12] =	stream.indirect.gather [hbm4b:s3+s5], $0x80, s23, s5, $0xb8;
	[tilespmem:$0x11000] =	vst v63  }
0x224: {  	_ =	swait.ge [sflag:s18], $0x4000  }
0x225: {  	[sflag:s18] =	ssyncset.done $0x0  }
0x226: {  	s26 =	rddreg [dreg:$0x7];
	[sflag:s18] =	ssyncadd.s32 $0xFFFFC000  }
0x227: {  	[hbm4b:s26+s2] =	stream.linear.scatter [tilespmem:s14], [sflag:$0x17], $0x4000, $0x38;
	[tilespmem:$0x11000] =	vst v63  }
0x228: {  	_ =	swait.ge [sflag:s7], $0x4000  }
0x229: {  	[sflag:s7] =	ssyncset.done $0x0  }
0x22a: {  	s28 =	simm.s32 $0x6;
	[sflag:s7] =	ssyncadd.s32 $0xFFFFC000  }
0x22b: {  	_ =	swait.ge [sflag:s28], $0x80  }
0x22c: {  	[sflag:s28] =	ssyncset.done $0x0  }
0x22d: {  	s25 =	simm.s32 $0xA80;
	[sflag:s28] =	ssyncadd.s32 $0xFFFFFF80  }
0x22e: {  	[tilespmem:s14], [sflag:$0x13] =	stream.indirect.gather [hbm4b:s3+s5], $0x80, s25, s5, $0xb8;
	[tilespmem:$0x11000] =	vst v63  }
0x22f: {  	_ =	swait.ge [sflag:s17], $0x4000  }
0x230: {  	[sflag:s17] =	ssyncset.done $0x0  }
0x231: {  	s21 =	rddreg [dreg:$0x8];
	[sflag:s17] =	ssyncadd.s32 $0xFFFFC000  }
0x232: {  	[hbm4b:s21+s2] =	stream.linear.scatter [tilespmem:s1], [sflag:$0x18], $0x4000, $0x38;
	[tilespmem:$0x11000] =	vst v63  }
0x233: {  	_ =	swait.ge [sflag:s8], $0x4000  }
0x234: {  	[sflag:s8] =	ssyncset.done $0x0  }
0x235: {  	s23 =	simm.s32 $0x7;
	[sflag:s8] =	ssyncadd.s32 $0xFFFFC000  }
0x236: {  	_ =	swait.ge [sflag:s23], $0x80  }
0x237: {  	[sflag:s23] =	ssyncset.done $0x0  }
0x238: {  	[sflag:s23] =	ssyncadd.s32 $0xFFFFFF80  }
0x239: {  	[tilespmem:s1], [sflag:$0x14] =	stream.indirect.gather [hbm4b:s3+s5], $0x80, s20, s5, $0xb8;
	[tilespmem:$0x11000] =	vst v63  }
0x23a: {  	_ =	swait.ge [sflag:s16], $0x4000  }
0x23b: {  	[sflag:s16] =	ssyncset.done $0x0  }
0x23c: {  	s25 =	rddreg [dreg:$0x9];
	[sflag:s16] =	ssyncadd.s32 $0xFFFFC000  }
0x23d: {  	[hbm4b:s25+s2] =	stream.linear.scatter [tilespmem:s29], [sflag:$0x19], $0x4000, $0x38;
	[tilespmem:$0x11000] =	vst v63  }
0x23e: {  	_ =	swait.ge [sflag:s9], $0x4000  }
0x23f: {  	[sflag:s9] =	ssyncset.done $0x0  }
0x240: {  	s26 =	simm.s32 $0x8;
	[sflag:s9] =	ssyncadd.s32 $0xFFFFC000  }
0x241: {  	_ =	swait.ge [sflag:s26], $0x80  }
0x242: {  	[sflag:s26] =	ssyncset.done $0x0  }
0x243: {  	s10 =	simm.s32 $0xB80;
	[sflag:s26] =	ssyncadd.s32 $0xFFFFFF80  }
0x244: {  	[tilespmem:s29], [sflag:$0x15] =	stream.indirect.gather [hbm4b:s3+s5], $0x80, s10, s5, $0xb8;
	[tilespmem:$0x11000] =	vst v63  }
0x245: {  	_ =	swait.ge [sflag:s19], $0x4000  }
0x246: {  	[sflag:s19] =	ssyncset.done $0x0  }
0x247: {  	s28 =	rddreg [dreg:$0xa];
	[sflag:s19] =	ssyncadd.s32 $0xFFFFC000  }
0x248: {  	[hbm4b:s28+s2] =	stream.linear.scatter [tilespmem:s13], [sflag:$0x16], $0x4000, $0x38;
	[tilespmem:$0x11000] =	vst v63  }
0x249: {  	_ =	swait.ge [sflag:s6], $0x4000  }
0x24a: {  	[sflag:s6] =	ssyncset.done $0x0  }
0x24b: {  	s10 =	simm.s32 $0x9;
	[sflag:s6] =	ssyncadd.s32 $0xFFFFC000  }
0x24c: {  	_ =	swait.ge [sflag:s10], $0x80  }
0x24d: {  	[sflag:s10] =	ssyncset.done $0x0  }
0x24e: {  	[sflag:s10] =	ssyncadd.s32 $0xFFFFFF80  }
0x24f: {  	[tilespmem:s13], [sflag:$0x12] =	stream.indirect.gather [hbm4b:s3+s5], $0x80, s15, s5, $0xb8;
	[tilespmem:$0x11000] =	vst v63  }
0x250: {  	_ =	swait.ge [sflag:s18], $0x4000  }
0x251: {  	[sflag:s18] =	ssyncset.done $0x0  }
0x252: {  	s15 =	rddreg [dreg:$0xb];
	[sflag:s18] =	ssyncadd.s32 $0xFFFFC000  }
0x253: {  	[hbm4b:s15+s2] =	stream.linear.scatter [tilespmem:s14], [sflag:$0x17], $0x4000, $0x38;
	[tilespmem:$0x11000] =	vst v63  }
0x254: {  	_ =	swait.ge [sflag:s7], $0x4000  }
0x255: {  	[sflag:s7] =	ssyncset.done $0x0  }
0x256: {  	s20 =	simm.s32 $0xA;
	[sflag:s7] =	ssyncadd.s32 $0xFFFFC000  }
0x257: {  	_ =	swait.ge [sflag:s20], $0x80  }
0x258: {  	[sflag:s20] =	ssyncset.done $0x0  }
0x259: {  	[sflag:s20] =	ssyncadd.s32 $0xFFFFFF80  }
0x25a: {  	[tilespmem:s14], [sflag:$0x13] =	stream.indirect.gather [hbm4b:s3+s5], $0x80, s22, s5, $0xb8;
	[tilespmem:$0x11000] =	vst v63  }
0x25b: {  	_ =	swait.ge [sflag:s17], $0x4000  }
0x25c: {  	[sflag:s17] =	ssyncset.done $0x0  }
0x25d: {  	s21 =	rddreg [dreg:$0xc];
	[sflag:s17] =	ssyncadd.s32 $0xFFFFC000  }
0x25e: {  	[hbm4b:s21+s2] =	stream.linear.scatter [tilespmem:s1], [sflag:$0x18], $0x4000, $0x38;
	[tilespmem:$0x11000] =	vst v63  }
0x25f: {  	_ =	swait.ge [sflag:s8], $0x4000  }
0x260: {  	[sflag:s8] =	ssyncset.done $0x0  }
0x261: {  	s22 =	simm.s32 $0xB;
	[sflag:s8] =	ssyncadd.s32 $0xFFFFC000  }
0x262: {  	_ =	swait.ge [sflag:s22], $0x80  }
0x263: {  	[sflag:s22] =	ssyncset.done $0x0  }
0x264: {  	[sflag:s22] =	ssyncadd.s32 $0xFFFFFF80  }
0x265: {  	[tilespmem:s1], [sflag:$0x14] =	stream.indirect.gather [hbm4b:s3+s5], $0x80, s31, s5, $0xb8;
	[tilespmem:$0x11000] =	vst v63  }
0x266: {  	_ =	swait.ge [sflag:s16], $0x4000  }
0x267: {  	[sflag:s16] =	ssyncset.done $0x0  }
0x268: {  	s23 =	rddreg [dreg:$0xd];
	[sflag:s16] =	ssyncadd.s32 $0xFFFFC000  }
0x269: {  	[hbm4b:s23+s2] =	stream.linear.scatter [tilespmem:s29], [sflag:$0x19], $0x4000, $0x38;
	[tilespmem:$0x11000] =	vst v63  }
0x26a: {  	_ =	swait.ge [sflag:s9], $0x4000  }
0x26b: {  	[sflag:s9] =	ssyncset.done $0x0  }
0x26c: {  	[sflag:s9] =	ssyncadd.s32 $0xFFFFC000  }
0x26d: {  	_ =	swait.ge [sflag:s4], $0x80  }
0x26e: {  	[sflag:s4] =	ssyncset.done $0x0  }
0x26f: {  	[sflag:s4] =	ssyncadd.s32 $0xFFFFFF80  }
0x270: {  	[tilespmem:s29], [sflag:$0x15] =	stream.indirect.gather [hbm4b:s3+s5], $0x80, s24, s5, $0xb8;
	[tilespmem:$0x11000] =	vst v63  }
0x271: {  	_ =	swait.ge [sflag:s19], $0x4000  }
0x272: {  	[sflag:s19] =	ssyncset.done $0x0  }
0x273: {  	s25 =	rddreg [dreg:$0xe];
	[sflag:s19] =	ssyncadd.s32 $0xFFFFC000  }
0x274: {  	[hbm4b:s25+s2] =	stream.linear.scatter [tilespmem:s13], [sflag:$0x16], $0x4000, $0x38;
	[tilespmem:$0x11000] =	vst v63  }
0x275: {  	_ =	swait.ge [sflag:s6], $0x4000  }
0x276: {  	[sflag:s6] =	ssyncset.done $0x0  }
0x277: {  	s26 =	simm.s32 $0xD;
	[sflag:s6] =	ssyncadd.s32 $0xFFFFC000  }
0x278: {  	_ =	swait.ge [sflag:s26], $0x80  }
0x279: {  	[sflag:s26] =	ssyncset.done $0x0  }
0x27a: {  	s28 =	simm.s32 $0xE00;
	[sflag:s26] =	ssyncadd.s32 $0xFFFFFF80  }
0x27b: {  	[tilespmem:s13], [sflag:$0x12] =	stream.indirect.gather [hbm4b:s3+s5], $0x80, s28, s5, $0xb8;
	[tilespmem:$0x11000] =	vst v63  }
0x27c: {  	_ =	swait.ge [sflag:s18], $0x4000  }
0x27d: {  	[sflag:s18] =	ssyncset.done $0x0  }
0x27e: {  	s31 =	rddreg [dreg:$0xf];
	[sflag:s18] =	ssyncadd.s32 $0xFFFFC000  }
0x27f: {  	[hbm4b:s31+s2] =	stream.linear.scatter [tilespmem:s14], [sflag:$0x17], $0x4000, $0x38;
	[tilespmem:$0x11000] =	vst v63  }
0x280: {  	_ =	swait.ge [sflag:s7], $0x4000  }
0x281: {  	[sflag:s7] =	ssyncset.done $0x0  }
0x282: {  	s4 =	simm.s32 $0xE;
	[sflag:s7] =	ssyncadd.s32 $0xFFFFC000  }
0x283: {  	_ =	swait.ge [sflag:s4], $0x80  }
0x284: {  	[sflag:s4] =	ssyncset.done $0x0  }
0x285: {  	s10 =	simm.s32 $0xE80;
	[sflag:s4] =	ssyncadd.s32 $0xFFFFFF80  }
0x286: {  	[tilespmem:s14], [sflag:$0x13] =	stream.indirect.gather [hbm4b:s3+s5], $0x80, s10, s5, $0xb8;
	[tilespmem:$0x11000] =	vst v63  }
0x287: {  	_ =	swait.ge [sflag:s17], $0x4000  }
0x288: {  	[sflag:s17] =	ssyncset.done $0x0  }
0x289: {  	s15 =	rddreg [dreg:$0x10];
	[sflag:s17] =	ssyncadd.s32 $0xFFFFC000  }
0x28a: {  	[hbm4b:s15+s2] =	stream.linear.scatter [tilespmem:s1], [sflag:$0x18], $0x4000, $0x38;
	[tilespmem:$0x11000] =	vst v63  }
0x28b: {  	_ =	swait.ge [sflag:s8], $0x4000  }
0x28c: {  	[sflag:s8] =	ssyncset.done $0x0  }
0x28d: {  	s20 =	simm.s32 $0xF;
	[sflag:s8] =	ssyncadd.s32 $0xFFFFC000  }
0x28e: {  	_ =	swait.ge [sflag:s20], $0x80  }
0x28f: {  	[sflag:s20] =	ssyncset.done $0x0  }
0x290: {  	s12 =	simm.s32 $0xF00;
	[sflag:s20] =	ssyncadd.s32 $0xFFFFFF80  }
0x291: {  	[tilespmem:s1], [sflag:$0x14] =	stream.indirect.gather [hbm4b:s3+s5], $0x80, s12, s5, $0xb8;
	[tilespmem:$0x11000] =	vst v63  }
0x292: {  	_ =	swait.ge [sflag:s16], $0x4000  }
0x293: {  	[sflag:s16] =	ssyncset.done $0x0  }
0x294: {  	s21 =	rddreg [dreg:$0x11];
	[sflag:s16] =	ssyncadd.s32 $0xFFFFC000  }
0x295: {  	[hbm4b:s21+s2] =	stream.linear.scatter [tilespmem:s29], [sflag:$0x19], $0x4000, $0x38;
	[tilespmem:$0x11000] =	vst v63  }
0x296: {  	_ =	swait.ge [sflag:s9], $0x4000  }
0x297: {  	[sflag:s9] =	ssyncset.done $0x0  }
0x298: {  	s22 =	simm.s32 $0x10;
	[sflag:s9] =	ssyncadd.s32 $0xFFFFC000  }
0x299: {  	_ =	swait.ge [sflag:s22], $0x80  }
0x29a: {  	[sflag:s22] =	ssyncset.done $0x0  }
0x29b: {  	s30 =	simm.s32 $0xF80;
	[sflag:s22] =	ssyncadd.s32 $0xFFFFFF80  }
0x29c: {  	[tilespmem:s29], [sflag:$0x15] =	stream.indirect.gather [hbm4b:s3+s5], $0x80, s30, s5, $0xb8;
	[tilespmem:$0x11000] =	vst v63  }
0x29d: {  	_ =	swait.ge [sflag:s19], $0x4000  }
0x29e: {  	[sflag:s19] =	ssyncset.done $0x0  }
0x29f: {  	s23 =	rddreg [dreg:$0x12];
	[sflag:s19] =	ssyncadd.s32 $0xFFFFC000  }
0x2a0: {  	[hbm4b:s23+s2] =	stream.linear.scatter [tilespmem:s13], [sflag:$0x16], $0x4000, $0x38;
	[tilespmem:$0x11000] =	vst v63  }
0x2a1: {  	_ =	swait.ge [sflag:s18], $0x4000  }
0x2a2: {  	[sflag:s18] =	ssyncset.done $0x0  }
0x2a3: {  	s24 =	rddreg [dreg:$0x13];
	[sflag:s18] =	ssyncadd.s32 $0xFFFFC000  }
0x2a4: {  	[hbm4b:s24+s2] =	stream.linear.scatter [tilespmem:s14], [sflag:$0x17], $0x4000, $0x38;
	[tilespmem:$0x11000] =	vst v63  }
0x2a5: {  	_ =	swait.ge [sflag:s17], $0x4000  }
0x2a6: {  	[sflag:s17] =	ssyncset.done $0x0  }
0x2a7: {  	s25 =	rddreg [dreg:$0x14];
	[sflag:s17] =	ssyncadd.s32 $0xFFFFC000  }
0x2a8: {  	[hbm4b:s25+s2] =	stream.linear.scatter [tilespmem:s1], [sflag:$0x18], $0x4000, $0x38;
	[tilespmem:$0x11000] =	vst v63  }
0x2a9: {  	_ =	swait.ge [sflag:s16], $0x4000  }
0x2aa: {  	[sflag:s16] =	ssyncset.done $0x0  }
0x2ab: {  	s26 =	rddreg [dreg:$0x15];
	[sflag:s16] =	ssyncadd.s32 $0xFFFFC000  }
0x2ac: {  	[hbm4b:s26+s2] =	stream.linear.scatter [tilespmem:s29], [sflag:$0x19], $0x4000, $0x38;
	[tilespmem:$0x11000] =	vst v63  }
0x2ad: {  	s11 =	simm.s32 $0x800;
	s28 =	rddreg [dreg:$0x16]  }
0x2ae: {  	[hbm4b:s28+s2] =	stream.linear.scatter [tilespmem:s11], [sflag:$0x11], $0x800, $0x38;
	[tilespmem:$0x11000] =	vst v63  }
0x2af: {  	_ =	swait.ge [sflag:s6], $0x4000  }
0x2b0: {  	[sflag:s6] =	ssyncset.done $0x0  }
0x2b1: {  	[sflag:s6] =	ssyncadd.s32 $0xFFFFC000  }
0x2b2: {  	_ =	swait.ge [sflag:s7], $0x4000  }
0x2b3: {  	[sflag:s7] =	ssyncset.done $0x0  }
0x2b4: {  	[sflag:s7] =	ssyncadd.s32 $0xFFFFC000  }
0x2b5: {  	_ =	swait.ge [sflag:s8], $0x4000  }
0x2b6: {  	[sflag:s8] =	ssyncset.done $0x0  }
0x2b7: {  	[sflag:s8] =	ssyncadd.s32 $0xFFFFC000  }
0x2b8: {  	_ =	swait.ge [sflag:s9], $0x4000  }
0x2b9: {  	[sflag:s9] =	ssyncset.done $0x0  }
0x2ba: {  	s30 =	simm.s32 $0x11;
	[sflag:s9] =	ssyncadd.s32 $0xFFFFC000  }
0x2bb: {  	_ =	swait.ge [sflag:s30], $0x800  }
0x2bc: {  	[sflag:s30] =	ssyncset.done $0x0  }
0x2bd: {  	[sflag:s30] =	ssyncadd.s32 $0xFFFFF800  }
0x2be: {  	_ =	sfence.sel $0x180000  }
0x2bf: {  	[bflag:$0x0] =	sbarrier.arrive $0xFFFF  }
0x2c0: {  	_ =	strace $0x90000047  }
0x2c1: {  	s31 =	stileid.u32;
	[bflag:$0x2] =	sbarrier.arrive $0xFFFF  }
0x2c2: {  	p0 =	sne.s32 s31, $0x0;
	s0 =	rddreg [dreg:$0x4]  }
0x2c3: {  	s0 =	sadd.s32 @!p0 $0x100000, s0  }
0x2c4: {  	[sflag:s0] =	ssyncadd.tile.s32 @!p0 $0x1;
	_ =	shalt  }
.LBB2_1:
.Ltmp3:
0x2c5: {  	(pc) =	sbr.rel .LBB2_6-.Ltmp3, $2  }
0x2c6: {  	_ =	sdelay $0x2  }
0x2c7: {  	s21 =	simm.s32 $0x11  }
.LBB2_7:
.Ltmp4:
0x2c8: {  	(pc) =	sbr.rel .LBB2_6-.Ltmp4, $3  }
0x2c9: {  	_ =	sdelay $0x1  }
0x2ca: {  	s24 =	simm.s32 $0xB80;
	s4 =	simm.s32 $0xC;
	s15 =	simm.s32 $0xA80  }
0x2cb: {  	s23 =	simm.s32 $0xA00;
	s26 =	simm.s32 $0x980;
	s28 =	simm.s32 $0x1A  }
.Lfunc_end2:
_tile_overlayer_lowered:
.L_overlay_start_2:
0x2cc: {  	(tag) =	ssettag $0x2  }
0x2cd: {  	s0 =	rddreg [dreg:$0x0];
	s2 =	stileid.u32  }
0x2ce: {  	s1 =	rddreg [dreg:$0x1];
	p0 =	sne.s32 s2, $0x0  }
0x2cf: {  	s3 =	rddreg [dreg:$0x2];
	[bflag:$0x3] =	sbarrier.arrive $0xFFFF;
	s2 =	simm.s32 @!p0 $0x1C1A  }
0x2d0: {  	[timem:s3], [sflag:s2] =	dma.local @!p0 [hbm:s0], s1  }
0x2d1: {  	s0 =	simm.s32 @!p0 $0x1A  }
0x2d2: {  	_ =	swait.ge @!p0 [sflag:s0], s1  }
0x2d3: {  	s1 =	ssub.s32 @!p0 $0x0, s1;
	[sflag:s0] =	ssyncset.done @!p0 $0x0  }
0x2d4: {  	[sflag:s0] =	ssyncadd.s32 @!p0 s1  }
0x2d5: {  	[bflag:$0x3] =	sbarrier.arrive $0xFFFF  }
0x2d6: {  	_ =	shalt  }

</sc_bundles>
